<compile_context>
chip_gen: v7x
topology: tpu7x:2x2x1
jax: 0.10.2.dev20260603
libtpu: 0.0.44.dev20260713+nightly
codegen_flags: <defaults>
</compile_context>

<pallas_src>
import functools

import jax
import jax.numpy as jnp
from jax import lax
from jax.experimental import pallas as pl
from jax.experimental.pallas import tpu as pltpu
from jax.experimental.pallas import tpu_sc as plsc

_GAMMA = 0.1
_EPSILON = 0.1
_NC = 2
_NS = 16
_CH = 80
_NP = 10240
_BR = 1000



@functools.lru_cache(maxsize=None)
def _make_deg_kernel(e):
    nw = _NC * _NS
    ep = e // nw
    cpt = ep // _CH
    mesh = plsc.VectorSubcoreMesh(core_axis_name="c", subcore_axis_name="s")

    @functools.partial(
        pl.kernel,
        out_type=jax.ShapeDtypeStruct((_NC, 1, _NP), jnp.float32),
        mesh=mesh,
        scratch_types=[
            pltpu.VMEM((cpt, _CH), jnp.int32),
            pltpu.VMEM((_CH,), jnp.float32),
            pltpu.VMEM_SHARED((_NP,), jnp.float32),
            pltpu.SemaphoreType.DMA,
        ],
    )
    def deg_kernel(dst3d_hbm, zeros_hbm, degp_hbm, idx_v, ones_v, shared_deg,
                   dsem):
        c = lax.axis_index("c")
        s = lax.axis_index("s")
        wid = c * _NS + s

        @pl.when(s == 0)
        def _():
            pltpu.sync_copy(zeros_hbm, shared_deg)

        pltpu.sync_copy(dst3d_hbm.at[wid], idx_v)
        for i in range(_CH // 16):
            ones_v[pl.ds(i * 16, 16)] = jnp.ones((16,), jnp.float32)
        plsc.subcore_barrier()

        def body(j, carry):
            pltpu.async_copy(ones_v, shared_deg.at[idx_v.at[j]], dsem,
                             add=True)

            @pl.when(j >= 8)
            def _():
                pltpu.make_async_copy(ones_v, shared_deg.at[idx_v.at[j]],
                                      dsem).wait()
            return carry

        lax.fori_loop(0, cpt, body, 0)

        def drain(j, carry):
            pltpu.make_async_copy(ones_v, shared_deg.at[idx_v.at[0]],
                                  dsem).wait()
            return carry

        lax.fori_loop(0, min(8, cpt), drain, 0)
        plsc.subcore_barrier()

        @pl.when(s == 0)
        def _():
            pltpu.sync_copy(shared_deg, degp_hbm.at[c, 0])

    return deg_kernel


_KB = 5
_CHA = 40


@functools.lru_cache(maxsize=None)
def _make_agg_kernel(e, d):
    nw = _NC * _NS
    ep = e // nw
    cpt = ep // _CHA
    assert cpt % (2 * _KB) == 0
    grp = cpt // _KB
    rpt = _NP // _NS
    mesh = plsc.VectorSubcoreMesh(core_axis_name="c", subcore_axis_name="s")

    @functools.partial(
        pl.kernel,
        out_type=jax.ShapeDtypeStruct((_NC, _NP, d), jnp.float32),
        mesh=mesh,
        scratch_types=[
            pltpu.VMEM((2, _KB, _CHA), jnp.int32),
            pltpu.VMEM((2, _KB, _CHA), jnp.int32),
        ] + [pltpu.VMEM((_CHA, d), jnp.float32) for _ in range(_KB)] + [
            pltpu.VMEM_SHARED((_NP, d), jnp.float32),
            pltpu.SemaphoreType.DMA,
            pltpu.SemaphoreType.DMA,
            pltpu.SemaphoreType.DMA,
        ] + [pltpu.SemaphoreType.DMA for _ in range(_KB)],
    )
    def agg_kernel(idx5d, g_hbm, znd_hbm, parts_hbm,
                   idx0, idx1, *rest):
        rows = rest[:_KB]
        shared_agg = rest[_KB]
        isem0, isem1 = rest[_KB + 1], rest[_KB + 2]
        ssem = rest[_KB + 3]
        gsems = rest[_KB + 4:]
        c = lax.axis_index("c")
        s = lax.axis_index("s")
        wid = c * _NS + s

        pltpu.sync_copy(znd_hbm.at[pl.ds(s * rpt, rpt)],
                        shared_agg.at[pl.ds(s * rpt, rpt)])
        pltpu.async_copy(idx5d.at[wid, 0], idx0, isem0)
        plsc.subcore_barrier()

        def body(jj2, carry):
            for b2, ibuf, isem, iother, iosem in (
                    (0, idx0, isem0, idx1, isem1),
                    (1, idx1, isem1, idx0, isem0)):
                jj = jj2 * 2 + b2
                pltpu.make_async_copy(idx5d.at[wid, jj], ibuf, isem).wait()

                @pl.when(jj >= 1)
                def _():
                    for b in range(_KB):
                        pltpu.make_async_copy(
                            rows[b], shared_agg.at[ibuf.at[1, b]],
                            ssem).wait()

                @pl.when(jj + 1 < grp)
                def _():
                    pltpu.async_copy(idx5d.at[wid, jj + 1], iother, iosem)

                handles = [
                    pltpu.async_copy(g_hbm.at[ibuf.at[0, b]],
                                     rows[b], gsems[b])
                    for b in range(_KB)
                ]
                for b in range(_KB):
                    handles[b].wait()
                    pltpu.async_copy(rows[b], shared_agg.at[ibuf.at[1, b]],
                                     ssem, add=True)
            return carry

        lax.fori_loop(0, grp // 2, body, 0)
        for b in range(_KB):
            pltpu.make_async_copy(rows[b], shared_agg.at[idx1.at[1, b]],
                                  ssem).wait()
        plsc.subcore_barrier()

        pltpu.sync_copy(shared_agg.at[pl.ds(s * rpt, rpt)],
                        parts_hbm.at[c, pl.ds(s * rpt, rpt)])

    return agg_kernel



def _tc1_body(degt_ref, x_ref, wphi_ref, w_ref, g_ref, z_ref):
    x = x_ref[...]
    w = w_ref[...]
    dp = degt_ref[...]
    dis = lax.rsqrt(dp[:, 0:1] + dp[:, 1:2] + 1.0)
    g_ref[...] = dis * jnp.dot(x, wphi_ref[...],
                               preferred_element_type=jnp.float32,
                               precision=lax.Precision.HIGHEST)
    a_t = w.T - w
    z_ref[...] = jnp.dot(x, a_t,
                         preferred_element_type=jnp.float32,
                         precision=lax.Precision.HIGHEST) - _GAMMA * x


def _tc3_body(x_ref, z_ref, g_ref, parts_ref, degt_ref, bias_ref, out_ref):
    dp = degt_ref[...]
    dis = lax.rsqrt(dp[:, 0:1] + dp[:, 1:2] + 1.0)
    agg = parts_ref[0] + parts_ref[1] + g_ref[...]
    pre = z_ref[...] + dis * agg + bias_ref[...]
    out_ref[...] = x_ref[...] + _EPSILON * jnp.tanh(pre)


def _tc1(degt, x, w_phi, w):
    n, d = x.shape
    grid = (n // _BR,)
    row = pl.BlockSpec((_BR, d), lambda i: (i, 0))
    full = pl.BlockSpec((d, d), lambda i: (0, 0))
    degs = pl.BlockSpec((_BR, _NC), lambda i: (i, 0))
    return pl.pallas_call(
        _tc1_body,
        grid=grid,
        in_specs=[degs, row, full, full],
        out_specs=[row, row],
        out_shape=[jax.ShapeDtypeStruct((n, d), jnp.float32)] * 2,
    )(degt, x, w_phi, w)


def _tc3(x, z, g, parts, degt, bias2d):
    n, d = x.shape
    grid = (n // _BR,)
    row = pl.BlockSpec((_BR, d), lambda i: (i, 0))
    pspec = pl.BlockSpec((_NC, _BR, d), lambda i: (0, i, 0))
    degs = pl.BlockSpec((_BR, _NC), lambda i: (i, 0))
    bspec = pl.BlockSpec((1, d), lambda i: (0, 0))
    return pl.pallas_call(
        _tc3_body,
        grid=grid,
        in_specs=[row, row, row, pspec, degs, bspec],
        out_specs=row,
        out_shape=jax.ShapeDtypeStruct((n, d), jnp.float32),
    )(x, z, g, parts, degt, bias2d)



def kernel(x, edge_index, W, W_phi, bias):
    n, d = x.shape
    e = edge_index.shape[1]
    nw = _NC * _NS
    cpt = e // (nw * _CH)

    grp = e // (nw * _CHA * _KB)

    dst3d = edge_index[1].reshape(nw, cpt, _CH)
    src_r = edge_index[0].reshape(nw, grp, 1, _KB, _CHA)
    dst_r = edge_index[1].reshape(nw, grp, 1, _KB, _CHA)
    idx5d = jnp.concatenate([src_r, dst_r], axis=2)
    zeros_n = jnp.zeros((_NP,), jnp.float32)
    zeros_nd = jnp.zeros((_NP, d), jnp.float32)

    degp = _make_deg_kernel(e)(dst3d, zeros_n)
    degt = degp.reshape(_NC, _NP)[:, :n].T
    g, z = _tc1(degt, x, W_phi, W)
    parts = _make_agg_kernel(e, d)(idx5d, g, zeros_nd)
    out = _tc3(x, z, g, parts, degt, bias.reshape(1, d))
    return out

# --- scband reference (transcript-rebuilt; emitter-appended) ---
"""Pipeline reference for scband-anti-symmetric-conv-14310831030632 (READ-ONLY COPY).

The authoritative reference and input builder live on the scoring server;
editing this copy changes nothing except your own understanding.
"""

import jax, jax.numpy as jnp
import numpy as np

N = 10000
E = 320000
D = 128
GAMMA = 0.1
EPSILON = 0.1
NUM_ITERS = 1


def setup_inputs(seed: int = 0) -> dict:
    key = jax.random.key(seed)
    k1, k2, k3, k4 = jax.random.split(key, 4)
    x = jax.random.normal(k1, (N, D), dtype=jnp.float32)
    edge_index = jax.random.randint(k2, (2, E), 0, N, dtype=jnp.int32)
    # W: kaiming_uniform with a=sqrt(5) -> bound = 1/sqrt(fan_in)
    bound_w = 1.0 / np.sqrt(D)
    W = jax.random.uniform(k3, (D, D), minval=-bound_w, maxval=bound_w, dtype=jnp.float32)
    # GCNConv linear weight (glorot init), stored as [in, out] so phi = x @ W_phi
    bound_g = np.sqrt(6.0 / (D + D))
    W_phi = jax.random.uniform(k4, (D, D), minval=-bound_g, maxval=bound_g, dtype=jnp.float32)
    bias = jnp.zeros((D,), dtype=jnp.float32)
    return {"x": x, "edge_index": edge_index, "W": W, "W_phi": W_phi, "bias": bias}


def _gcn_conv(x, edge_index, W_phi):
    # GCNConv(in, in, bias=False) with default add_self_loops=True, normalize=True
    loop = jnp.arange(N, dtype=edge_index.dtype)
    src = jnp.concatenate([edge_index[0], loop])
    dst = jnp.concatenate([edge_index[1], loop])
    deg = jnp.zeros((N,), dtype=jnp.float32).at[dst].add(1.0)
    deg_inv_sqrt = jnp.where(deg > 0, jax.lax.rsqrt(jnp.maximum(deg, 1e-12)), 0.0)
    norm = deg_inv_sqrt[src] * deg_inv_sqrt[dst]
    h = x @ W_phi
    msg = h[src] * norm[:, None]
    out = jnp.zeros((N, D), dtype=jnp.float32).at[dst].add(msg)
    return out


def reference(x, edge_index, W, W_phi, bias):
    antisymmetric_W = W - W.T - GAMMA * jnp.eye(D, dtype=jnp.float32)
    out = x
    for _ in range(NUM_ITERS):
        h = _gcn_conv(out, edge_index, W_phi)
        h = out @ antisymmetric_W.T + h
        h = h + bias
        h = jnp.tanh(h)
        out = out + EPSILON * h
    return out

if __name__ == "__main__":
    import jax
    _d = setup_inputs()
    print(jax.jit(kernel)(*tuple(_d.values())))

</pallas_src>

<mosaic_0001>
#map = affine_map<(d0, d1) -> (0, 0, 0, 0, 0)>
#map1 = affine_map<(d0, d1) -> (0, 0)>
#map2 = affine_map<(d0, d1) -> (0, 0, 0)>
module attributes {stable_mosaic.version = 14 : i64} {
  func.func @agg_kernel(%arg0: i32, %arg1: i32, %arg2: memref<32x50x2x5x40xi32, #tpu.memory_space<hbm>>, %arg3: memref<10000x128xf32, #tpu.memory_space<hbm>>, %arg4: memref<10240x128xf32, #tpu.memory_space<hbm>>, %arg5: memref<2x10240x128xf32, #tpu.memory_space<hbm>>, %arg6: memref<2x5x40xi32, #tpu.memory_space<vmem>>, %arg7: memref<2x5x40xi32, #tpu.memory_space<vmem>>, %arg8: memref<40x128xf32, #tpu.memory_space<vmem>>, %arg9: memref<40x128xf32, #tpu.memory_space<vmem>>, %arg10: memref<40x128xf32, #tpu.memory_space<vmem>>, %arg11: memref<40x128xf32, #tpu.memory_space<vmem>>, %arg12: memref<40x128xf32, #tpu.memory_space<vmem>>, %arg13: memref<10240x128xf32, #tpu.memory_space<vmem_shared>>, %arg14: memref<!tpu.dma_semaphore, #tpu.memory_space<semaphore_mem>>, %arg15: memref<!tpu.dma_semaphore, #tpu.memory_space<semaphore_mem>>, %arg16: memref<!tpu.dma_semaphore, #tpu.memory_space<semaphore_mem>>, %arg17: memref<!tpu.dma_semaphore, #tpu.memory_space<semaphore_mem>>, %arg18: memref<!tpu.dma_semaphore, #tpu.memory_space<semaphore_mem>>, %arg19: memref<!tpu.dma_semaphore, #tpu.memory_space<semaphore_mem>>, %arg20: memref<!tpu.dma_semaphore, #tpu.memory_space<semaphore_mem>>, %arg21: memref<!tpu.dma_semaphore, #tpu.memory_space<semaphore_mem>>) attributes {dimension_semantics = [#tpu.dimension_semantics<core_parallel>, #tpu.dimension_semantics<subcore_parallel>], iteration_bounds = array<i64: 2, 16>, scalar_prefetch = 0 : i64, scratch_operands = 16 : i64, tpu.core_type = #tpu.core_type<sc_vector_subcore>, window_params = [{transform_indices = #map}, {transform_indices = #map1}, {transform_indices = #map1}, {transform_indices = #map2}]} {
    %mul3A = arith.constant 16 : i32
    %mul3A_0 = arith.muli %arg0, %mul3A : i32
    %add3A = arith.addi %mul3A_0, %arg1 : i32
    %mul3A_1 = arith.constant 640 : i32
    %mul3A_2 = arith.muli %arg1, %mul3A_1 : i32
    %mul3A_3 = arith.constant 640 : i32
    %mul3A_4 = arith.muli %arg1, %mul3A_3 : i32
    "tpu.region"() ({
      %run_scoped3A = tpu.sem_alloc : memref<!tpu.dma_semaphore, #tpu.memory_space<semaphore_mem>>
      %dma_start3A_64 = arith.constant 0 : i32
      %dma_start3A_65 = tpu.memref_slice %arg13[%mul3A_4, %dma_start3A_64] : memref<10240x128xf32, #tpu.memory_space<vmem_shared>> -> memref<640x128xf32, #tpu.memory_space<vmem_shared>>
      %dma_start3A_66 = arith.constant 0 : i32
      %dma_start3A_67 = tpu.memref_slice %arg4[%mul3A_2, %dma_start3A_66] : memref<10240x128xf32, #tpu.memory_space<hbm>> -> memref<640x128xf32, #tpu.memory_space<hbm>>
      tpu.enqueue_dma source(%dma_start3A_67 : memref<640x128xf32, #tpu.memory_space<hbm>>) target(%dma_start3A_65 : memref<640x128xf32, #tpu.memory_space<vmem_shared>>) target_semaphore(%run_scoped3A : memref<!tpu.dma_semaphore, #tpu.memory_space<semaphore_mem>>)
      %dma_wait3A_68 = arith.constant 0 : i32
      %dma_wait3A_69 = tpu.memref_slice %arg13[%mul3A_4, %dma_wait3A_68] : memref<10240x128xf32, #tpu.memory_space<vmem_shared>> -> memref<640x128xf32, #tpu.memory_space<vmem_shared>>
      %dma_wait3A_70 = arith.constant 0 : i32
      %dma_wait3A_71 = tpu.memref_slice %arg4[%mul3A_2, %dma_wait3A_70] : memref<10240x128xf32, #tpu.memory_space<hbm>> -> memref<640x128xf32, #tpu.memory_space<hbm>>
      tpu.wait_dma2 semaphore(%run_scoped3A : memref<!tpu.dma_semaphore, #tpu.memory_space<semaphore_mem>>) src(%dma_wait3A_71 : memref<640x128xf32, #tpu.memory_space<hbm>>) dst(%dma_wait3A_69 : memref<640x128xf32, #tpu.memory_space<vmem_shared>>)
      tpu.yield
    }) : () -> ()
    %dma_start3A = arith.constant 0 : i32
    %dma_start3A_5 = arith.constant 0 : i32
    %dma_start3A_6 = arith.constant 0 : i32
    %dma_start3A_7 = arith.constant 0 : i32
    %dma_start3A_8 = tpu.memref_slice %arg2[%add3A, %dma_start3A, %dma_start3A_5, %dma_start3A_6, %dma_start3A_7] : memref<32x50x2x5x40xi32, #tpu.memory_space<hbm>> -> memref<1x1x2x5x40xi32, #tpu.memory_space<hbm>>
    %dma_start3A_9 = tpu.memref_squeeze %dma_start3A_8 : memref<1x1x2x5x40xi32, #tpu.memory_space<hbm>> -> memref<2x5x40xi32, #tpu.memory_space<hbm>>
    %dma_start3A_10 = arith.constant 0 : i32
    %dma_start3A_11 = arith.constant 0 : i32
    %dma_start3A_12 = arith.constant 0 : i32
    %dma_start3A_13 = tpu.memref_slice %arg2[%add3A, %dma_start3A, %dma_start3A_10, %dma_start3A_11, %dma_start3A_12] : memref<32x50x2x5x40xi32, #tpu.memory_space<hbm>> -> memref<1x1x2x5x40xi32, #tpu.memory_space<hbm>>
    %dma_start3A_14 = tpu.memref_squeeze %dma_start3A_13 : memref<1x1x2x5x40xi32, #tpu.memory_space<hbm>> -> memref<2x5x40xi32, #tpu.memory_space<hbm>>
    tpu.enqueue_dma source(%dma_start3A_14 : memref<2x5x40xi32, #tpu.memory_space<hbm>>) target(%arg6 : memref<2x5x40xi32, #tpu.memory_space<vmem>>) target_semaphore(%arg14 : memref<!tpu.dma_semaphore, #tpu.memory_space<semaphore_mem>>)
    %barrier3A = arith.constant 0 : index
    tpu.barrier barrier_id(%barrier3A)
    %scan3A = arith.constant 0 : i32
    %scan3A_15 = arith.constant 0 : i32
    %scan3A_16 = arith.constant 25 : i32
    %scan3A_17 = arith.addi %scan3A_15, %scan3A_16 : i32
    %scan3A_18 = arith.constant 1 : i32
    scf.for %scan3A_64 = %scan3A_15 to %scan3A_17 step %scan3A_18  : i32 {
      %mul3A_65 = arith.constant 2 : i32
      %mul3A_66 = arith.muli %scan3A_64, %mul3A_65 : i32
      %add3A_67 = arith.constant 0 : i32
      %add3A_68 = arith.addi %mul3A_66, %add3A_67 : i32
      %dma_wait3A_69 = arith.constant 0 : i32
      %dma_wait3A_70 = arith.constant 0 : i32
      %dma_wait3A_71 = arith.constant 0 : i32
      %dma_wait3A_72 = tpu.memref_slice %arg2[%add3A, %add3A_68, %dma_wait3A_69, %dma_wait3A_70, %dma_wait3A_71] : memref<32x50x2x5x40xi32, #tpu.memory_space<hbm>> -> memref<1x1x2x5x40xi32, #tpu.memory_space<hbm>>
      %dma_wait3A_73 = tpu.memref_squeeze %dma_wait3A_72 : memref<1x1x2x5x40xi32, #tpu.memory_space<hbm>> -> memref<2x5x40xi32, #tpu.memory_space<hbm>>
      %dma_wait3A_74 = arith.constant 0 : i32
      %dma_wait3A_75 = arith.constant 0 : i32
      %dma_wait3A_76 = arith.constant 0 : i32
      %dma_wait3A_77 = tpu.memref_slice %arg2[%add3A, %add3A_68, %dma_wait3A_74, %dma_wait3A_75, %dma_wait3A_76] : memref<32x50x2x5x40xi32, #tpu.memory_space<hbm>> -> memref<1x1x2x5x40xi32, #tpu.memory_space<hbm>>
      %dma_wait3A_78 = tpu.memref_squeeze %dma_wait3A_77 : memref<1x1x2x5x40xi32, #tpu.memory_space<hbm>> -> memref<2x5x40xi32, #tpu.memory_space<hbm>>
      tpu.wait_dma2 semaphore(%arg14 : memref<!tpu.dma_semaphore, #tpu.memory_space<semaphore_mem>>) src(%dma_wait3A_78 : memref<2x5x40xi32, #tpu.memory_space<hbm>>) dst(%arg6 : memref<2x5x40xi32, #tpu.memory_space<vmem>>)
      %ge3A = arith.constant 1 : i32
      %ge3A_79 = arith.cmpi sge, %add3A_68, %ge3A : i32
      %convert_element_type3A = arith.extui %ge3A_79 : i1 to i32
      %cond3A = arith.constant 0 : i32
      %cond3A_80 = arith.cmpi ne, %convert_element_type3A, %cond3A : i32
      scf.if %cond3A_80 {
        %dma_wait3A_353 = arith.constant 1 : i32
        %dma_wait3A_354 = arith.constant 0 : i32
        %dma_wait3A_355 = arith.constant 0 : i32
        %dma_wait3A_356 = tpu.memref_slice %arg6[%dma_wait3A_353, %dma_wait3A_354, %dma_wait3A_355] : memref<2x5x40xi32, #tpu.memory_space<vmem>> -> memref<1x1x40xi32, #tpu.memory_space<vmem>>
        %dma_wait3A_357 = tpu.memref_squeeze %dma_wait3A_356 : memref<1x1x40xi32, #tpu.memory_space<vmem>> -> memref<40xi32, #tpu.memory_space<vmem>>
        %dma_wait3A_358 = arith.constant 0 : i32
        %dma_wait3A_359 = arith.constant 0 : i32
        %dma_wait3A_360 = tpu.memref_slice %arg13[%dma_wait3A_358, %dma_wait3A_359] : memref<10240x128xf32, #tpu.memory_space<vmem_shared>> -> memref<10240x128xf32, #tpu.memory_space<vmem_shared>>
        tpu.wait_indirect_dma semaphore(%arg16 : memref<!tpu.dma_semaphore, #tpu.memory_space<semaphore_mem>>) src(%arg8 : memref<40x128xf32, #tpu.memory_space<vmem>>) dst(%dma_wait3A_360 : memref<10240x128xf32, #tpu.memory_space<vmem_shared>>)
        %dma_wait3A_361 = arith.constant 1 : i32
        %dma_wait3A_362 = arith.constant 1 : i32
        %dma_wait3A_363 = arith.constant 0 : i32
        %dma_wait3A_364 = tpu.memref_slice %arg6[%dma_wait3A_361, %dma_wait3A_362, %dma_wait3A_363] : memref<2x5x40xi32, #tpu.memory_space<vmem>> -> memref<1x1x40xi32, #tpu.memory_space<vmem>>
        %dma_wait3A_365 = tpu.memref_squeeze %dma_wait3A_364 : memref<1x1x40xi32, #tpu.memory_space<vmem>> -> memref<40xi32, #tpu.memory_space<vmem>>
        %dma_wait3A_366 = arith.constant 0 : i32
        %dma_wait3A_367 = arith.constant 0 : i32
        %dma_wait3A_368 = tpu.memref_slice %arg13[%dma_wait3A_366, %dma_wait3A_367] : memref<10240x128xf32, #tpu.memory_space<vmem_shared>> -> memref<10240x128xf32, #tpu.memory_space<vmem_shared>>
        tpu.wait_indirect_dma semaphore(%arg16 : memref<!tpu.dma_semaphore, #tpu.memory_space<semaphore_mem>>) src(%arg9 : memref<40x128xf32, #tpu.memory_space<vmem>>) dst(%dma_wait3A_368 : memref<10240x128xf32, #tpu.memory_space<vmem_shared>>)
        %dma_wait3A_369 = arith.constant 1 : i32
        %dma_wait3A_370 = arith.constant 2 : i32
        %dma_wait3A_371 = arith.constant 0 : i32
        %dma_wait3A_372 = tpu.memref_slice %arg6[%dma_wait3A_369, %dma_wait3A_370, %dma_wait3A_371] : memref<2x5x40xi32, #tpu.memory_space<vmem>> -> memref<1x1x40xi32, #tpu.memory_space<vmem>>
        %dma_wait3A_373 = tpu.memref_squeeze %dma_wait3A_372 : memref<1x1x40xi32, #tpu.memory_space<vmem>> -> memref<40xi32, #tpu.memory_space<vmem>>
        %dma_wait3A_374 = arith.constant 0 : i32
        %dma_wait3A_375 = arith.constant 0 : i32
        %dma_wait3A_376 = tpu.memref_slice %arg13[%dma_wait3A_374, %dma_wait3A_375] : memref<10240x128xf32, #tpu.memory_space<vmem_shared>> -> memref<10240x128xf32, #tpu.memory_space<vmem_shared>>
        tpu.wait_indirect_dma semaphore(%arg16 : memref<!tpu.dma_semaphore, #tpu.memory_space<semaphore_mem>>) src(%arg10 : memref<40x128xf32, #tpu.memory_space<vmem>>) dst(%dma_wait3A_376 : memref<10240x128xf32, #tpu.memory_space<vmem_shared>>)
        %dma_wait3A_377 = arith.constant 1 : i32
        %dma_wait3A_378 = arith.constant 3 : i32
        %dma_wait3A_379 = arith.constant 0 : i32
        %dma_wait3A_380 = tpu.memref_slice %arg6[%dma_wait3A_377, %dma_wait3A_378, %dma_wait3A_379] : memref<2x5x40xi32, #tpu.memory_space<vmem>> -> memref<1x1x40xi32, #tpu.memory_space<vmem>>
        %dma_wait3A_381 = tpu.memref_squeeze %dma_wait3A_380 : memref<1x1x40xi32, #tpu.memory_space<vmem>> -> memref<40xi32, #tpu.memory_space<vmem>>
        %dma_wait3A_382 = arith.constant 0 : i32
        %dma_wait3A_383 = arith.constant 0 : i32
        %dma_wait3A_384 = tpu.memref_slice %arg13[%dma_wait3A_382, %dma_wait3A_383] : memref<10240x128xf32, #tpu.memory_space<vmem_shared>> -> memref<10240x128xf32, #tpu.memory_space<vmem_shared>>
        tpu.wait_indirect_dma semaphore(%arg16 : memref<!tpu.dma_semaphore, #tpu.memory_space<semaphore_mem>>) src(%arg11 : memref<40x128xf32, #tpu.memory_space<vmem>>) dst(%dma_wait3A_384 : memref<10240x128xf32, #tpu.memory_space<vmem_shared>>)
        %dma_wait3A_385 = arith.constant 1 : i32
        %dma_wait3A_386 = arith.constant 4 : i32
        %dma_wait3A_387 = arith.constant 0 : i32
        %dma_wait3A_388 = tpu.memref_slice %arg6[%dma_wait3A_385, %dma_wait3A_386, %dma_wait3A_387] : memref<2x5x40xi32, #tpu.memory_space<vmem>> -> memref<1x1x40xi32, #tpu.memory_space<vmem>>
        %dma_wait3A_389 = tpu.memref_squeeze %dma_wait3A_388 : memref<1x1x40xi32, #tpu.memory_space<vmem>> -> memref<40xi32, #tpu.memory_space<vmem>>
        %dma_wait3A_390 = arith.constant 0 : i32
        %dma_wait3A_391 = arith.constant 0 : i32
        %dma_wait3A_392 = tpu.memref_slice %arg13[%dma_wait3A_390, %dma_wait3A_391] : memref<10240x128xf32, #tpu.memory_space<vmem_shared>> -> memref<10240x128xf32, #tpu.memory_space<vmem_shared>>
        tpu.wait_indirect_dma semaphore(%arg16 : memref<!tpu.dma_semaphore, #tpu.memory_space<semaphore_mem>>) src(%arg12 : memref<40x128xf32, #tpu.memory_space<vmem>>) dst(%dma_wait3A_392 : memref<10240x128xf32, #tpu.memory_space<vmem_shared>>)
      } else {
      }
      %add3A_81 = arith.constant 1 : i32
      %add3A_82 = arith.addi %add3A_68, %add3A_81 : i32
      %lt3A = arith.constant 50 : i32
      %lt3A_83 = arith.cmpi slt, %add3A_82, %lt3A : i32
      %convert_element_type3A_84 = arith.extui %lt3A_83 : i1 to i32
      %cond3A_85 = arith.constant 0 : i32
      %cond3A_86 = arith.cmpi ne, %convert_element_type3A_84, %cond3A_85 : i32
      scf.if %cond3A_86 {
        %add3A_353 = arith.constant 1 : i32
        %add3A_354 = arith.addi %add3A_68, %add3A_353 : i32
        %dma_start3A_355 = arith.constant 0 : i32
        %dma_start3A_356 = arith.constant 0 : i32
        %dma_start3A_357 = arith.constant 0 : i32
        %dma_start3A_358 = tpu.memref_slice %arg2[%add3A, %add3A_354, %dma_start3A_355, %dma_start3A_356, %dma_start3A_357] : memref<32x50x2x5x40xi32, #tpu.memory_space<hbm>> -> memref<1x1x2x5x40xi32, #tpu.memory_space<hbm>>
        %dma_start3A_359 = tpu.memref_squeeze %dma_start3A_358 : memref<1x1x2x5x40xi32, #tpu.memory_space<hbm>> -> memref<2x5x40xi32, #tpu.memory_space<hbm>>
        %dma_start3A_360 = arith.constant 0 : i32
        %dma_start3A_361 = arith.constant 0 : i32
        %dma_start3A_362 = arith.constant 0 : i32
        %dma_start3A_363 = tpu.memref_slice %arg2[%add3A, %add3A_354, %dma_start3A_360, %dma_start3A_361, %dma_start3A_362] : memref<32x50x2x5x40xi32, #tpu.memory_space<hbm>> -> memref<1x1x2x5x40xi32, #tpu.memory_space<hbm>>
        %dma_start3A_364 = tpu.memref_squeeze %dma_start3A_363 : memref<1x1x2x5x40xi32, #tpu.memory_space<hbm>> -> memref<2x5x40xi32, #tpu.memory_space<hbm>>
        tpu.enqueue_dma source(%dma_start3A_364 : memref<2x5x40xi32, #tpu.memory_space<hbm>>) target(%arg7 : memref<2x5x40xi32, #tpu.memory_space<vmem>>) target_semaphore(%arg15 : memref<!tpu.dma_semaphore, #tpu.memory_space<semaphore_mem>>)
      } else {
      }
      %dma_start3A_87 = arith.constant 0 : i32
      %dma_start3A_88 = arith.constant 0 : i32
      %dma_start3A_89 = arith.constant 0 : i32
      %dma_start3A_90 = tpu.memref_slice %arg6[%dma_start3A_87, %dma_start3A_88, %dma_start3A_89] : memref<2x5x40xi32, #tpu.memory_space<vmem>> -> memref<1x1x40xi32, #tpu.memory_space<vmem>>
      %dma_start3A_91 = tpu.memref_squeeze %dma_start3A_90 : memref<1x1x40xi32, #tpu.memory_space<vmem>> -> memref<40xi32, #tpu.memory_space<vmem>>
      %dma_start3A_92 = arith.constant 0 : i32
      %dma_start3A_93 = arith.constant 0 : i32
      %dma_start3A_94 = tpu.memref_slice %arg3[%dma_start3A_92, %dma_start3A_93] : memref<10000x128xf32, #tpu.memory_space<hbm>> -> memref<10000x128xf32, #tpu.memory_space<hbm>>
      tpu.enqueue_indirect_dma source(%dma_start3A_94 : memref<10000x128xf32, #tpu.memory_space<hbm>>) target(%arg8 : memref<40x128xf32, #tpu.memory_space<vmem>>) offsets(%dma_start3A_91 : memref<40xi32, #tpu.memory_space<vmem>>) semaphore(%arg17 : memref<!tpu.dma_semaphore, #tpu.memory_space<semaphore_mem>>)
      %dma_start3A_95 = arith.constant 0 : i32
      %dma_start3A_96 = arith.constant 1 : i32
      %dma_start3A_97 = arith.constant 0 : i32
      %dma_start3A_98 = tpu.memref_slice %arg6[%dma_start3A_95, %dma_start3A_96, %dma_start3A_97] : memref<2x5x40xi32, #tpu.memory_space<vmem>> -> memref<1x1x40xi32, #tpu.memory_space<vmem>>
      %dma_start3A_99 = tpu.memref_squeeze %dma_start3A_98 : memref<1x1x40xi32, #tpu.memory_space<vmem>> -> memref<40xi32, #tpu.memory_space<vmem>>
      %dma_start3A_100 = arith.constant 0 : i32
      %dma_start3A_101 = arith.constant 0 : i32
      %dma_start3A_102 = tpu.memref_slice %arg3[%dma_start3A_100, %dma_start3A_101] : memref<10000x128xf32, #tpu.memory_space<hbm>> -> memref<10000x128xf32, #tpu.memory_space<hbm>>
      tpu.enqueue_indirect_dma source(%dma_start3A_102 : memref<10000x128xf32, #tpu.memory_space<hbm>>) target(%arg9 : memref<40x128xf32, #tpu.memory_space<vmem>>) offsets(%dma_start3A_99 : memref<40xi32, #tpu.memory_space<vmem>>) semaphore(%arg18 : memref<!tpu.dma_semaphore, #tpu.memory_space<semaphore_mem>>)
      %dma_start3A_103 = arith.constant 0 : i32
      %dma_start3A_104 = arith.constant 2 : i32
      %dma_start3A_105 = arith.constant 0 : i32
      %dma_start3A_106 = tpu.memref_slice %arg6[%dma_start3A_103, %dma_start3A_104, %dma_start3A_105] : memref<2x5x40xi32, #tpu.memory_space<vmem>> -> memref<1x1x40xi32, #tpu.memory_space<vmem>>
      %dma_start3A_107 = tpu.memref_squeeze %dma_start3A_106 : memref<1x1x40xi32, #tpu.memory_space<vmem>> -> memref<40xi32, #tpu.memory_space<vmem>>
      %dma_start3A_108 = arith.constant 0 : i32
      %dma_start3A_109 = arith.constant 0 : i32
      %dma_start3A_110 = tpu.memref_slice %arg3[%dma_start3A_108, %dma_start3A_109] : memref<10000x128xf32, #tpu.memory_space<hbm>> -> memref<10000x128xf32, #tpu.memory_space<hbm>>
      tpu.enqueue_indirect_dma source(%dma_start3A_110 : memref<10000x128xf32, #tpu.memory_space<hbm>>) target(%arg10 : memref<40x128xf32, #tpu.memory_space<vmem>>) offsets(%dma_start3A_107 : memref<40xi32, #tpu.memory_space<vmem>>) semaphore(%arg19 : memref<!tpu.dma_semaphore, #tpu.memory_space<semaphore_mem>>)
      %dma_start3A_111 = arith.constant 0 : i32
      %dma_start3A_112 = arith.constant 3 : i32
      %dma_start3A_113 = arith.constant 0 : i32
      %dma_start3A_114 = tpu.memref_slice %arg6[%dma_start3A_111, %dma_start3A_112, %dma_start3A_113] : memref<2x5x40xi32, #tpu.memory_space<vmem>> -> memref<1x1x40xi32, #tpu.memory_space<vmem>>
      %dma_start3A_115 = tpu.memref_squeeze %dma_start3A_114 : memref<1x1x40xi32, #tpu.memory_space<vmem>> -> memref<40xi32, #tpu.memory_space<vmem>>
      %dma_start3A_116 = arith.constant 0 : i32
      %dma_start3A_117 = arith.constant 0 : i32
      %dma_start3A_118 = tpu.memref_slice %arg3[%dma_start3A_116, %dma_start3A_117] : memref<10000x128xf32, #tpu.memory_space<hbm>> -> memref<10000x128xf32, #tpu.memory_space<hbm>>
      tpu.enqueue_indirect_dma source(%dma_start3A_118 : memref<10000x128xf32, #tpu.memory_space<hbm>>) target(%arg11 : memref<40x128xf32, #tpu.memory_space<vmem>>) offsets(%dma_start3A_115 : memref<40xi32, #tpu.memory_space<vmem>>) semaphore(%arg20 : memref<!tpu.dma_semaphore, #tpu.memory_space<semaphore_mem>>)
      %dma_start3A_119 = arith.constant 0 : i32
      %dma_start3A_120 = arith.constant 4 : i32
      %dma_start3A_121 = arith.constant 0 : i32
      %dma_start3A_122 = tpu.memref_slice %arg6[%dma_start3A_119, %dma_start3A_120, %dma_start3A_121] : memref<2x5x40xi32, #tpu.memory_space<vmem>> -> memref<1x1x40xi32, #tpu.memory_space<vmem>>
      %dma_start3A_123 = tpu.memref_squeeze %dma_start3A_122 : memref<1x1x40xi32, #tpu.memory_space<vmem>> -> memref<40xi32, #tpu.memory_space<vmem>>
      %dma_start3A_124 = arith.constant 0 : i32
      %dma_start3A_125 = arith.constant 0 : i32
      %dma_start3A_126 = tpu.memref_slice %arg3[%dma_start3A_124, %dma_start3A_125] : memref<10000x128xf32, #tpu.memory_space<hbm>> -> memref<10000x128xf32, #tpu.memory_space<hbm>>
      tpu.enqueue_indirect_dma source(%dma_start3A_126 : memref<10000x128xf32, #tpu.memory_space<hbm>>) target(%arg12 : memref<40x128xf32, #tpu.memory_space<vmem>>) offsets(%dma_start3A_123 : memref<40xi32, #tpu.memory_space<vmem>>) semaphore(%arg21 : memref<!tpu.dma_semaphore, #tpu.memory_space<semaphore_mem>>)
      %dma_wait3A_127 = arith.constant 0 : i32
      %dma_wait3A_128 = arith.constant 0 : i32
      %dma_wait3A_129 = arith.constant 0 : i32
      %dma_wait3A_130 = tpu.memref_slice %arg6[%dma_wait3A_127, %dma_wait3A_128, %dma_wait3A_129] : memref<2x5x40xi32, #tpu.memory_space<vmem>> -> memref<1x1x40xi32, #tpu.memory_space<vmem>>
      %dma_wait3A_131 = tpu.memref_squeeze %dma_wait3A_130 : memref<1x1x40xi32, #tpu.memory_space<vmem>> -> memref<40xi32, #tpu.memory_space<vmem>>
      %dma_wait3A_132 = arith.constant 0 : i32
      %dma_wait3A_133 = arith.constant 0 : i32
      %dma_wait3A_134 = tpu.memref_slice %arg3[%dma_wait3A_132, %dma_wait3A_133] : memref<10000x128xf32, #tpu.memory_space<hbm>> -> memref<10000x128xf32, #tpu.memory_space<hbm>>
      tpu.wait_indirect_dma semaphore(%arg17 : memref<!tpu.dma_semaphore, #tpu.memory_space<semaphore_mem>>) src(%dma_wait3A_134 : memref<10000x128xf32, #tpu.memory_space<hbm>>) dst(%arg8 : memref<40x128xf32, #tpu.memory_space<vmem>>)
      %dma_start3A_135 = arith.constant 1 : i32
      %dma_start3A_136 = arith.constant 0 : i32
      %dma_start3A_137 = arith.constant 0 : i32
      %dma_start3A_138 = tpu.memref_slice %arg6[%dma_start3A_135, %dma_start3A_136, %dma_start3A_137] : memref<2x5x40xi32, #tpu.memory_space<vmem>> -> memref<1x1x40xi32, #tpu.memory_space<vmem>>
      %dma_start3A_139 = tpu.memref_squeeze %dma_start3A_138 : memref<1x1x40xi32, #tpu.memory_space<vmem>> -> memref<40xi32, #tpu.memory_space<vmem>>
      %dma_start3A_140 = arith.constant 0 : i32
      %dma_start3A_141 = arith.constant 0 : i32
      %dma_start3A_142 = tpu.memref_slice %arg13[%dma_start3A_140, %dma_start3A_141] : memref<10240x128xf32, #tpu.memory_space<vmem_shared>> -> memref<10240x128xf32, #tpu.memory_space<vmem_shared>>
      tpu.enqueue_indirect_dma source(%arg8 : memref<40x128xf32, #tpu.memory_space<vmem>>) target(%dma_start3A_142 : memref<10240x128xf32, #tpu.memory_space<vmem_shared>>) offsets(%dma_start3A_139 : memref<40xi32, #tpu.memory_space<vmem>>) semaphore(%arg16 : memref<!tpu.dma_semaphore, #tpu.memory_space<semaphore_mem>>) {add = true}
      %dma_wait3A_143 = arith.constant 0 : i32
      %dma_wait3A_144 = arith.constant 1 : i32
      %dma_wait3A_145 = arith.constant 0 : i32
      %dma_wait3A_146 = tpu.memref_slice %arg6[%dma_wait3A_143, %dma_wait3A_144, %dma_wait3A_145] : memref<2x5x40xi32, #tpu.memory_space<vmem>> -> memref<1x1x40xi32, #tpu.memory_space<vmem>>
      %dma_wait3A_147 = tpu.memref_squeeze %dma_wait3A_146 : memref<1x1x40xi32, #tpu.memory_space<vmem>> -> memref<40xi32, #tpu.memory_space<vmem>>
      %dma_wait3A_148 = arith.constant 0 : i32
      %dma_wait3A_149 = arith.constant 0 : i32
      %dma_wait3A_150 = tpu.memref_slice %arg3[%dma_wait3A_148, %dma_wait3A_149] : memref<10000x128xf32, #tpu.memory_space<hbm>> -> memref<10000x128xf32, #tpu.memory_space<hbm>>
      tpu.wait_indirect_dma semaphore(%arg18 : memref<!tpu.dma_semaphore, #tpu.memory_space<semaphore_mem>>) src(%dma_wait3A_150 : memref<10000x128xf32, #tpu.memory_space<hbm>>) dst(%arg9 : memref<40x128xf32, #tpu.memory_space<vmem>>)
      %dma_start3A_151 = arith.constant 1 : i32
      %dma_start3A_152 = arith.constant 1 : i32
      %dma_start3A_153 = arith.constant 0 : i32
      %dma_start3A_154 = tpu.memref_slice %arg6[%dma_start3A_151, %dma_start3A_152, %dma_start3A_153] : memref<2x5x40xi32, #tpu.memory_space<vmem>> -> memref<1x1x40xi32, #tpu.memory_space<vmem>>
      %dma_start3A_155 = tpu.memref_squeeze %dma_start3A_154 : memref<1x1x40xi32, #tpu.memory_space<vmem>> -> memref<40xi32, #tpu.memory_space<vmem>>
      %dma_start3A_156 = arith.constant 0 : i32
      %dma_start3A_157 = arith.constant 0 : i32
      %dma_start3A_158 = tpu.memref_slice %arg13[%dma_start3A_156, %dma_start3A_157] : memref<10240x128xf32, #tpu.memory_space<vmem_shared>> -> memref<10240x128xf32, #tpu.memory_space<vmem_shared>>
      tpu.enqueue_indirect_dma source(%arg9 : memref<40x128xf32, #tpu.memory_space<vmem>>) target(%dma_start3A_158 : memref<10240x128xf32, #tpu.memory_space<vmem_shared>>) offsets(%dma_start3A_155 : memref<40xi32, #tpu.memory_space<vmem>>) semaphore(%arg16 : memref<!tpu.dma_semaphore, #tpu.memory_space<semaphore_mem>>) {add = true}
      %dma_wait3A_159 = arith.constant 0 : i32
      %dma_wait3A_160 = arith.constant 2 : i32
      %dma_wait3A_161 = arith.constant 0 : i32
      %dma_wait3A_162 = tpu.memref_slice %arg6[%dma_wait3A_159, %dma_wait3A_160, %dma_wait3A_161] : memref<2x5x40xi32, #tpu.memory_space<vmem>> -> memref<1x1x40xi32, #tpu.memory_space<vmem>>
      %dma_wait3A_163 = tpu.memref_squeeze %dma_wait3A_162 : memref<1x1x40xi32, #tpu.memory_space<vmem>> -> memref<40xi32, #tpu.memory_space<vmem>>
      %dma_wait3A_164 = arith.constant 0 : i32
      %dma_wait3A_165 = arith.constant 0 : i32
      %dma_wait3A_166 = tpu.memref_slice %arg3[%dma_wait3A_164, %dma_wait3A_165] : memref<10000x128xf32, #tpu.memory_space<hbm>> -> memref<10000x128xf32, #tpu.memory_space<hbm>>
      tpu.wait_indirect_dma semaphore(%arg19 : memref<!tpu.dma_semaphore, #tpu.memory_space<semaphore_mem>>) src(%dma_wait3A_166 : memref<10000x128xf32, #tpu.memory_space<hbm>>) dst(%arg10 : memref<40x128xf32, #tpu.memory_space<vmem>>)
      %dma_start3A_167 = arith.constant 1 : i32
      %dma_start3A_168 = arith.constant 2 : i32
      %dma_start3A_169 = arith.constant 0 : i32
      %dma_start3A_170 = tpu.memref_slice %arg6[%dma_start3A_167, %dma_start3A_168, %dma_start3A_169] : memref<2x5x40xi32, #tpu.memory_space<vmem>> -> memref<1x1x40xi32, #tpu.memory_space<vmem>>
      %dma_start3A_171 = tpu.memref_squeeze %dma_start3A_170 : memref<1x1x40xi32, #tpu.memory_space<vmem>> -> memref<40xi32, #tpu.memory_space<vmem>>
      %dma_start3A_172 = arith.constant 0 : i32
      %dma_start3A_173 = arith.constant 0 : i32
      %dma_start3A_174 = tpu.memref_slice %arg13[%dma_start3A_172, %dma_start3A_173] : memref<10240x128xf32, #tpu.memory_space<vmem_shared>> -> memref<10240x128xf32, #tpu.memory_space<vmem_shared>>
      tpu.enqueue_indirect_dma source(%arg10 : memref<40x128xf32, #tpu.memory_space<vmem>>) target(%dma_start3A_174 : memref<10240x128xf32, #tpu.memory_space<vmem_shared>>) offsets(%dma_start3A_171 : memref<40xi32, #tpu.memory_space<vmem>>) semaphore(%arg16 : memref<!tpu.dma_semaphore, #tpu.memory_space<semaphore_mem>>) {add = true}
      %dma_wait3A_175 = arith.constant 0 : i32
      %dma_wait3A_176 = arith.constant 3 : i32
      %dma_wait3A_177 = arith.constant 0 : i32
      %dma_wait3A_178 = tpu.memref_slice %arg6[%dma_wait3A_175, %dma_wait3A_176, %dma_wait3A_177] : memref<2x5x40xi32, #tpu.memory_space<vmem>> -> memref<1x1x40xi32, #tpu.memory_space<vmem>>
      %dma_wait3A_179 = tpu.memref_squeeze %dma_wait3A_178 : memref<1x1x40xi32, #tpu.memory_space<vmem>> -> memref<40xi32, #tpu.memory_space<vmem>>
      %dma_wait3A_180 = arith.constant 0 : i32
      %dma_wait3A_181 = arith.constant 0 : i32
      %dma_wait3A_182 = tpu.memref_slice %arg3[%dma_wait3A_180, %dma_wait3A_181] : memref<10000x128xf32, #tpu.memory_space<hbm>> -> memref<10000x128xf32, #tpu.memory_space<hbm>>
      tpu.wait_indirect_dma semaphore(%arg20 : memref<!tpu.dma_semaphore, #tpu.memory_space<semaphore_mem>>) src(%dma_wait3A_182 : memref<10000x128xf32, #tpu.memory_space<hbm>>) dst(%arg11 : memref<40x128xf32, #tpu.memory_space<vmem>>)
      %dma_start3A_183 = arith.constant 1 : i32
      %dma_start3A_184 = arith.constant 3 : i32
      %dma_start3A_185 = arith.constant 0 : i32
      %dma_start3A_186 = tpu.memref_slice %arg6[%dma_start3A_183, %dma_start3A_184, %dma_start3A_185] : memref<2x5x40xi32, #tpu.memory_space<vmem>> -> memref<1x1x40xi32, #tpu.memory_space<vmem>>
      %dma_start3A_187 = tpu.memref_squeeze %dma_start3A_186 : memref<1x1x40xi32, #tpu.memory_space<vmem>> -> memref<40xi32, #tpu.memory_space<vmem>>
      %dma_start3A_188 = arith.constant 0 : i32
      %dma_start3A_189 = arith.constant 0 : i32
      %dma_start3A_190 = tpu.memref_slice %arg13[%dma_start3A_188, %dma_start3A_189] : memref<10240x128xf32, #tpu.memory_space<vmem_shared>> -> memref<10240x128xf32, #tpu.memory_space<vmem_shared>>
      tpu.enqueue_indirect_dma source(%arg11 : memref<40x128xf32, #tpu.memory_space<vmem>>) target(%dma_start3A_190 : memref<10240x128xf32, #tpu.memory_space<vmem_shared>>) offsets(%dma_start3A_187 : memref<40xi32, #tpu.memory_space<vmem>>) semaphore(%arg16 : memref<!tpu.dma_semaphore, #tpu.memory_space<semaphore_mem>>) {add = true}
      %dma_wait3A_191 = arith.constant 0 : i32
      %dma_wait3A_192 = arith.constant 4 : i32
      %dma_wait3A_193 = arith.constant 0 : i32
      %dma_wait3A_194 = tpu.memref_slice %arg6[%dma_wait3A_191, %dma_wait3A_192, %dma_wait3A_193] : memref<2x5x40xi32, #tpu.memory_space<vmem>> -> memref<1x1x40xi32, #tpu.memory_space<vmem>>
      %dma_wait3A_195 = tpu.memref_squeeze %dma_wait3A_194 : memref<1x1x40xi32, #tpu.memory_space<vmem>> -> memref<40xi32, #tpu.memory_space<vmem>>
      %dma_wait3A_196 = arith.constant 0 : i32
      %dma_wait3A_197 = arith.constant 0 : i32
      %dma_wait3A_198 = tpu.memref_slice %arg3[%dma_wait3A_196, %dma_wait3A_197] : memref<10000x128xf32, #tpu.memory_space<hbm>> -> memref<10000x128xf32, #tpu.memory_space<hbm>>
      tpu.wait_indirect_dma semaphore(%arg21 : memref<!tpu.dma_semaphore, #tpu.memory_space<semaphore_mem>>) src(%dma_wait3A_198 : memref<10000x128xf32, #tpu.memory_space<hbm>>) dst(%arg12 : memref<40x128xf32, #tpu.memory_space<vmem>>)
      %dma_start3A_199 = arith.constant 1 : i32
      %dma_start3A_200 = arith.constant 4 : i32
      %dma_start3A_201 = arith.constant 0 : i32
      %dma_start3A_202 = tpu.memref_slice %arg6[%dma_start3A_199, %dma_start3A_200, %dma_start3A_201] : memref<2x5x40xi32, #tpu.memory_space<vmem>> -> memref<1x1x40xi32, #tpu.memory_space<vmem>>
      %dma_start3A_203 = tpu.memref_squeeze %dma_start3A_202 : memref<1x1x40xi32, #tpu.memory_space<vmem>> -> memref<40xi32, #tpu.memory_space<vmem>>
      %dma_start3A_204 = arith.constant 0 : i32
      %dma_start3A_205 = arith.constant 0 : i32
      %dma_start3A_206 = tpu.memref_slice %arg13[%dma_start3A_204, %dma_start3A_205] : memref<10240x128xf32, #tpu.memory_space<vmem_shared>> -> memref<10240x128xf32, #tpu.memory_space<vmem_shared>>
      tpu.enqueue_indirect_dma source(%arg12 : memref<40x128xf32, #tpu.memory_space<vmem>>) target(%dma_start3A_206 : memref<10240x128xf32, #tpu.memory_space<vmem_shared>>) offsets(%dma_start3A_203 : memref<40xi32, #tpu.memory_space<vmem>>) semaphore(%arg16 : memref<!tpu.dma_semaphore, #tpu.memory_space<semaphore_mem>>) {add = true}
      %mul3A_207 = arith.constant 2 : i32
      %mul3A_208 = arith.muli %scan3A_64, %mul3A_207 : i32
      %add3A_209 = arith.constant 1 : i32
      %add3A_210 = arith.addi %mul3A_208, %add3A_209 : i32
      %dma_wait3A_211 = arith.constant 0 : i32
      %dma_wait3A_212 = arith.constant 0 : i32
      %dma_wait3A_213 = arith.constant 0 : i32
      %dma_wait3A_214 = tpu.memref_slice %arg2[%add3A, %add3A_210, %dma_wait3A_211, %dma_wait3A_212, %dma_wait3A_213] : memref<32x50x2x5x40xi32, #tpu.memory_space<hbm>> -> memref<1x1x2x5x40xi32, #tpu.memory_space<hbm>>
      %dma_wait3A_215 = tpu.memref_squeeze %dma_wait3A_214 : memref<1x1x2x5x40xi32, #tpu.memory_space<hbm>> -> memref<2x5x40xi32, #tpu.memory_space<hbm>>
      %dma_wait3A_216 = arith.constant 0 : i32
      %dma_wait3A_217 = arith.constant 0 : i32
      %dma_wait3A_218 = arith.constant 0 : i32
      %dma_wait3A_219 = tpu.memref_slice %arg2[%add3A, %add3A_210, %dma_wait3A_216, %dma_wait3A_217, %dma_wait3A_218] : memref<32x50x2x5x40xi32, #tpu.memory_space<hbm>> -> memref<1x1x2x5x40xi32, #tpu.memory_space<hbm>>
      %dma_wait3A_220 = tpu.memref_squeeze %dma_wait3A_219 : memref<1x1x2x5x40xi32, #tpu.memory_space<hbm>> -> memref<2x5x40xi32, #tpu.memory_space<hbm>>
      tpu.wait_dma2 semaphore(%arg15 : memref<!tpu.dma_semaphore, #tpu.memory_space<semaphore_mem>>) src(%dma_wait3A_220 : memref<2x5x40xi32, #tpu.memory_space<hbm>>) dst(%arg7 : memref<2x5x40xi32, #tpu.memory_space<vmem>>)
      %ge3A_221 = arith.constant 1 : i32
      %ge3A_222 = arith.cmpi sge, %add3A_210, %ge3A_221 : i32
      %convert_element_type3A_223 = arith.extui %ge3A_222 : i1 to i32
      %cond3A_224 = arith.constant 0 : i32
      %cond3A_225 = arith.cmpi ne, %convert_element_type3A_223, %cond3A_224 : i32
      scf.if %cond3A_225 {
        %dma_wait3A_353 = arith.constant 1 : i32
        %dma_wait3A_354 = arith.constant 0 : i32
        %dma_wait3A_355 = arith.constant 0 : i32
        %dma_wait3A_356 = tpu.memref_slice %arg7[%dma_wait3A_353, %dma_wait3A_354, %dma_wait3A_355] : memref<2x5x40xi32, #tpu.memory_space<vmem>> -> memref<1x1x40xi32, #tpu.memory_space<vmem>>
        %dma_wait3A_357 = tpu.memref_squeeze %dma_wait3A_356 : memref<1x1x40xi32, #tpu.memory_space<vmem>> -> memref<40xi32, #tpu.memory_space<vmem>>
        %dma_wait3A_358 = arith.constant 0 : i32
        %dma_wait3A_359 = arith.constant 0 : i32
        %dma_wait3A_360 = tpu.memref_slice %arg13[%dma_wait3A_358, %dma_wait3A_359] : memref<10240x128xf32, #tpu.memory_space<vmem_shared>> -> memref<10240x128xf32, #tpu.memory_space<vmem_shared>>
        tpu.wait_indirect_dma semaphore(%arg16 : memref<!tpu.dma_semaphore, #tpu.memory_space<semaphore_mem>>) src(%arg8 : memref<40x128xf32, #tpu.memory_space<vmem>>) dst(%dma_wait3A_360 : memref<10240x128xf32, #tpu.memory_space<vmem_shared>>)
        %dma_wait3A_361 = arith.constant 1 : i32
        %dma_wait3A_362 = arith.constant 1 : i32
        %dma_wait3A_363 = arith.constant 0 : i32
        %dma_wait3A_364 = tpu.memref_slice %arg7[%dma_wait3A_361, %dma_wait3A_362, %dma_wait3A_363] : memref<2x5x40xi32, #tpu.memory_space<vmem>> -> memref<1x1x40xi32, #tpu.memory_space<vmem>>
        %dma_wait3A_365 = tpu.memref_squeeze %dma_wait3A_364 : memref<1x1x40xi32, #tpu.memory_space<vmem>> -> memref<40xi32, #tpu.memory_space<vmem>>
        %dma_wait3A_366 = arith.constant 0 : i32
        %dma_wait3A_367 = arith.constant 0 : i32
        %dma_wait3A_368 = tpu.memref_slice %arg13[%dma_wait3A_366, %dma_wait3A_367] : memref<10240x128xf32, #tpu.memory_space<vmem_shared>> -> memref<10240x128xf32, #tpu.memory_space<vmem_shared>>
        tpu.wait_indirect_dma semaphore(%arg16 : memref<!tpu.dma_semaphore, #tpu.memory_space<semaphore_mem>>) src(%arg9 : memref<40x128xf32, #tpu.memory_space<vmem>>) dst(%dma_wait3A_368 : memref<10240x128xf32, #tpu.memory_space<vmem_shared>>)
        %dma_wait3A_369 = arith.constant 1 : i32
        %dma_wait3A_370 = arith.constant 2 : i32
        %dma_wait3A_371 = arith.constant 0 : i32
        %dma_wait3A_372 = tpu.memref_slice %arg7[%dma_wait3A_369, %dma_wait3A_370, %dma_wait3A_371] : memref<2x5x40xi32, #tpu.memory_space<vmem>> -> memref<1x1x40xi32, #tpu.memory_space<vmem>>
        %dma_wait3A_373 = tpu.memref_squeeze %dma_wait3A_372 : memref<1x1x40xi32, #tpu.memory_space<vmem>> -> memref<40xi32, #tpu.memory_space<vmem>>
        %dma_wait3A_374 = arith.constant 0 : i32
        %dma_wait3A_375 = arith.constant 0 : i32
        %dma_wait3A_376 = tpu.memref_slice %arg13[%dma_wait3A_374, %dma_wait3A_375] : memref<10240x128xf32, #tpu.memory_space<vmem_shared>> -> memref<10240x128xf32, #tpu.memory_space<vmem_shared>>
        tpu.wait_indirect_dma semaphore(%arg16 : memref<!tpu.dma_semaphore, #tpu.memory_space<semaphore_mem>>) src(%arg10 : memref<40x128xf32, #tpu.memory_space<vmem>>) dst(%dma_wait3A_376 : memref<10240x128xf32, #tpu.memory_space<vmem_shared>>)
        %dma_wait3A_377 = arith.constant 1 : i32
        %dma_wait3A_378 = arith.constant 3 : i32
        %dma_wait3A_379 = arith.constant 0 : i32
        %dma_wait3A_380 = tpu.memref_slice %arg7[%dma_wait3A_377, %dma_wait3A_378, %dma_wait3A_379] : memref<2x5x40xi32, #tpu.memory_space<vmem>> -> memref<1x1x40xi32, #tpu.memory_space<vmem>>
        %dma_wait3A_381 = tpu.memref_squeeze %dma_wait3A_380 : memref<1x1x40xi32, #tpu.memory_space<vmem>> -> memref<40xi32, #tpu.memory_space<vmem>>
        %dma_wait3A_382 = arith.constant 0 : i32
        %dma_wait3A_383 = arith.constant 0 : i32
        %dma_wait3A_384 = tpu.memref_slice %arg13[%dma_wait3A_382, %dma_wait3A_383] : memref<10240x128xf32, #tpu.memory_space<vmem_shared>> -> memref<10240x128xf32, #tpu.memory_space<vmem_shared>>
        tpu.wait_indirect_dma semaphore(%arg16 : memref<!tpu.dma_semaphore, #tpu.memory_space<semaphore_mem>>) src(%arg11 : memref<40x128xf32, #tpu.memory_space<vmem>>) dst(%dma_wait3A_384 : memref<10240x128xf32, #tpu.memory_space<vmem_shared>>)
        %dma_wait3A_385 = arith.constant 1 : i32
        %dma_wait3A_386 = arith.constant 4 : i32
        %dma_wait3A_387 = arith.constant 0 : i32
        %dma_wait3A_388 = tpu.memref_slice %arg7[%dma_wait3A_385, %dma_wait3A_386, %dma_wait3A_387] : memref<2x5x40xi32, #tpu.memory_space<vmem>> -> memref<1x1x40xi32, #tpu.memory_space<vmem>>
        %dma_wait3A_389 = tpu.memref_squeeze %dma_wait3A_388 : memref<1x1x40xi32, #tpu.memory_space<vmem>> -> memref<40xi32, #tpu.memory_space<vmem>>
        %dma_wait3A_390 = arith.constant 0 : i32
        %dma_wait3A_391 = arith.constant 0 : i32
        %dma_wait3A_392 = tpu.memref_slice %arg13[%dma_wait3A_390, %dma_wait3A_391] : memref<10240x128xf32, #tpu.memory_space<vmem_shared>> -> memref<10240x128xf32, #tpu.memory_space<vmem_shared>>
        tpu.wait_indirect_dma semaphore(%arg16 : memref<!tpu.dma_semaphore, #tpu.memory_space<semaphore_mem>>) src(%arg12 : memref<40x128xf32, #tpu.memory_space<vmem>>) dst(%dma_wait3A_392 : memref<10240x128xf32, #tpu.memory_space<vmem_shared>>)
      } else {
      }
      %add3A_226 = arith.constant 1 : i32
      %add3A_227 = arith.addi %add3A_210, %add3A_226 : i32
      %lt3A_228 = arith.constant 50 : i32
      %lt3A_229 = arith.cmpi slt, %add3A_227, %lt3A_228 : i32
      %convert_element_type3A_230 = arith.extui %lt3A_229 : i1 to i32
      %cond3A_231 = arith.constant 0 : i32
      %cond3A_232 = arith.cmpi ne, %convert_element_type3A_230, %cond3A_231 : i32
      scf.if %cond3A_232 {
        %add3A_353 = arith.constant 1 : i32
        %add3A_354 = arith.addi %add3A_210, %add3A_353 : i32
        %dma_start3A_355 = arith.constant 0 : i32
        %dma_start3A_356 = arith.constant 0 : i32
        %dma_start3A_357 = arith.constant 0 : i32
        %dma_start3A_358 = tpu.memref_slice %arg2[%add3A, %add3A_354, %dma_start3A_355, %dma_start3A_356, %dma_start3A_357] : memref<32x50x2x5x40xi32, #tpu.memory_space<hbm>> -> memref<1x1x2x5x40xi32, #tpu.memory_space<hbm>>
        %dma_start3A_359 = tpu.memref_squeeze %dma_start3A_358 : memref<1x1x2x5x40xi32, #tpu.memory_space<hbm>> -> memref<2x5x40xi32, #tpu.memory_space<hbm>>
        %dma_start3A_360 = arith.constant 0 : i32
        %dma_start3A_361 = arith.constant 0 : i32
        %dma_start3A_362 = arith.constant 0 : i32
        %dma_start3A_363 = tpu.memref_slice %arg2[%add3A, %add3A_354, %dma_start3A_360, %dma_start3A_361, %dma_start3A_362] : memref<32x50x2x5x40xi32, #tpu.memory_space<hbm>> -> memref<1x1x2x5x40xi32, #tpu.memory_space<hbm>>
        %dma_start3A_364 = tpu.memref_squeeze %dma_start3A_363 : memref<1x1x2x5x40xi32, #tpu.memory_space<hbm>> -> memref<2x5x40xi32, #tpu.memory_space<hbm>>
        tpu.enqueue_dma source(%dma_start3A_364 : memref<2x5x40xi32, #tpu.memory_space<hbm>>) target(%arg6 : memref<2x5x40xi32, #tpu.memory_space<vmem>>) target_semaphore(%arg14 : memref<!tpu.dma_semaphore, #tpu.memory_space<semaphore_mem>>)
      } else {
      }
      %dma_start3A_233 = arith.constant 0 : i32
      %dma_start3A_234 = arith.constant 0 : i32
      %dma_start3A_235 = arith.constant 0 : i32
      %dma_start3A_236 = tpu.memref_slice %arg7[%dma_start3A_233, %dma_start3A_234, %dma_start3A_235] : memref<2x5x40xi32, #tpu.memory_space<vmem>> -> memref<1x1x40xi32, #tpu.memory_space<vmem>>
      %dma_start3A_237 = tpu.memref_squeeze %dma_start3A_236 : memref<1x1x40xi32, #tpu.memory_space<vmem>> -> memref<40xi32, #tpu.memory_space<vmem>>
      %dma_start3A_238 = arith.constant 0 : i32
      %dma_start3A_239 = arith.constant 0 : i32
      %dma_start3A_240 = tpu.memref_slice %arg3[%dma_start3A_238, %dma_start3A_239] : memref<10000x128xf32, #tpu.memory_space<hbm>> -> memref<10000x128xf32, #tpu.memory_space<hbm>>
      tpu.enqueue_indirect_dma source(%dma_start3A_240 : memref<10000x128xf32, #tpu.memory_space<hbm>>) target(%arg8 : memref<40x128xf32, #tpu.memory_space<vmem>>) offsets(%dma_start3A_237 : memref<40xi32, #tpu.memory_space<vmem>>) semaphore(%arg17 : memref<!tpu.dma_semaphore, #tpu.memory_space<semaphore_mem>>)
      %dma_start3A_241 = arith.constant 0 : i32
      %dma_start3A_242 = arith.constant 1 : i32
      %dma_start3A_243 = arith.constant 0 : i32
      %dma_start3A_244 = tpu.memref_slice %arg7[%dma_start3A_241, %dma_start3A_242, %dma_start3A_243] : memref<2x5x40xi32, #tpu.memory_space<vmem>> -> memref<1x1x40xi32, #tpu.memory_space<vmem>>
      %dma_start3A_245 = tpu.memref_squeeze %dma_start3A_244 : memref<1x1x40xi32, #tpu.memory_space<vmem>> -> memref<40xi32, #tpu.memory_space<vmem>>
      %dma_start3A_246 = arith.constant 0 : i32
      %dma_start3A_247 = arith.constant 0 : i32
      %dma_start3A_248 = tpu.memref_slice %arg3[%dma_start3A_246, %dma_start3A_247] : memref<10000x128xf32, #tpu.memory_space<hbm>> -> memref<10000x128xf32, #tpu.memory_space<hbm>>
      tpu.enqueue_indirect_dma source(%dma_start3A_248 : memref<10000x128xf32, #tpu.memory_space<hbm>>) target(%arg9 : memref<40x128xf32, #tpu.memory_space<vmem>>) offsets(%dma_start3A_245 : memref<40xi32, #tpu.memory_space<vmem>>) semaphore(%arg18 : memref<!tpu.dma_semaphore, #tpu.memory_space<semaphore_mem>>)
      %dma_start3A_249 = arith.constant 0 : i32
      %dma_start3A_250 = arith.constant 2 : i32
      %dma_start3A_251 = arith.constant 0 : i32
      %dma_start3A_252 = tpu.memref_slice %arg7[%dma_start3A_249, %dma_start3A_250, %dma_start3A_251] : memref<2x5x40xi32, #tpu.memory_space<vmem>> -> memref<1x1x40xi32, #tpu.memory_space<vmem>>
      %dma_start3A_253 = tpu.memref_squeeze %dma_start3A_252 : memref<1x1x40xi32, #tpu.memory_space<vmem>> -> memref<40xi32, #tpu.memory_space<vmem>>
      %dma_start3A_254 = arith.constant 0 : i32
      %dma_start3A_255 = arith.constant 0 : i32
      %dma_start3A_256 = tpu.memref_slice %arg3[%dma_start3A_254, %dma_start3A_255] : memref<10000x128xf32, #tpu.memory_space<hbm>> -> memref<10000x128xf32, #tpu.memory_space<hbm>>
      tpu.enqueue_indirect_dma source(%dma_start3A_256 : memref<10000x128xf32, #tpu.memory_space<hbm>>) target(%arg10 : memref<40x128xf32, #tpu.memory_space<vmem>>) offsets(%dma_start3A_253 : memref<40xi32, #tpu.memory_space<vmem>>) semaphore(%arg19 : memref<!tpu.dma_semaphore, #tpu.memory_space<semaphore_mem>>)
      %dma_start3A_257 = arith.constant 0 : i32
      %dma_start3A_258 = arith.constant 3 : i32
      %dma_start3A_259 = arith.constant 0 : i32
      %dma_start3A_260 = tpu.memref_slice %arg7[%dma_start3A_257, %dma_start3A_258, %dma_start3A_259] : memref<2x5x40xi32, #tpu.memory_space<vmem>> -> memref<1x1x40xi32, #tpu.memory_space<vmem>>
      %dma_start3A_261 = tpu.memref_squeeze %dma_start3A_260 : memref<1x1x40xi32, #tpu.memory_space<vmem>> -> memref<40xi32, #tpu.memory_space<vmem>>
      %dma_start3A_262 = arith.constant 0 : i32
      %dma_start3A_263 = arith.constant 0 : i32
      %dma_start3A_264 = tpu.memref_slice %arg3[%dma_start3A_262, %dma_start3A_263] : memref<10000x128xf32, #tpu.memory_space<hbm>> -> memref<10000x128xf32, #tpu.memory_space<hbm>>
      tpu.enqueue_indirect_dma source(%dma_start3A_264 : memref<10000x128xf32, #tpu.memory_space<hbm>>) target(%arg11 : memref<40x128xf32, #tpu.memory_space<vmem>>) offsets(%dma_start3A_261 : memref<40xi32, #tpu.memory_space<vmem>>) semaphore(%arg20 : memref<!tpu.dma_semaphore, #tpu.memory_space<semaphore_mem>>)
      %dma_start3A_265 = arith.constant 0 : i32
      %dma_start3A_266 = arith.constant 4 : i32
      %dma_start3A_267 = arith.constant 0 : i32
      %dma_start3A_268 = tpu.memref_slice %arg7[%dma_start3A_265, %dma_start3A_266, %dma_start3A_267] : memref<2x5x40xi32, #tpu.memory_space<vmem>> -> memref<1x1x40xi32, #tpu.memory_space<vmem>>
      %dma_start3A_269 = tpu.memref_squeeze %dma_start3A_268 : memref<1x1x40xi32, #tpu.memory_space<vmem>> -> memref<40xi32, #tpu.memory_space<vmem>>
      %dma_start3A_270 = arith.constant 0 : i32
      %dma_start3A_271 = arith.constant 0 : i32
      %dma_start3A_272 = tpu.memref_slice %arg3[%dma_start3A_270, %dma_start3A_271] : memref<10000x128xf32, #tpu.memory_space<hbm>> -> memref<10000x128xf32, #tpu.memory_space<hbm>>
      tpu.enqueue_indirect_dma source(%dma_start3A_272 : memref<10000x128xf32, #tpu.memory_space<hbm>>) target(%arg12 : memref<40x128xf32, #tpu.memory_space<vmem>>) offsets(%dma_start3A_269 : memref<40xi32, #tpu.memory_space<vmem>>) semaphore(%arg21 : memref<!tpu.dma_semaphore, #tpu.memory_space<semaphore_mem>>)
      %dma_wait3A_273 = arith.constant 0 : i32
      %dma_wait3A_274 = arith.constant 0 : i32
      %dma_wait3A_275 = arith.constant 0 : i32
      %dma_wait3A_276 = tpu.memref_slice %arg7[%dma_wait3A_273, %dma_wait3A_274, %dma_wait3A_275] : memref<2x5x40xi32, #tpu.memory_space<vmem>> -> memref<1x1x40xi32, #tpu.memory_space<vmem>>
      %dma_wait3A_277 = tpu.memref_squeeze %dma_wait3A_276 : memref<1x1x40xi32, #tpu.memory_space<vmem>> -> memref<40xi32, #tpu.memory_space<vmem>>
      %dma_wait3A_278 = arith.constant 0 : i32
      %dma_wait3A_279 = arith.constant 0 : i32
      %dma_wait3A_280 = tpu.memref_slice %arg3[%dma_wait3A_278, %dma_wait3A_279] : memref<10000x128xf32, #tpu.memory_space<hbm>> -> memref<10000x128xf32, #tpu.memory_space<hbm>>
      tpu.wait_indirect_dma semaphore(%arg17 : memref<!tpu.dma_semaphore, #tpu.memory_space<semaphore_mem>>) src(%dma_wait3A_280 : memref<10000x128xf32, #tpu.memory_space<hbm>>) dst(%arg8 : memref<40x128xf32, #tpu.memory_space<vmem>>)
      %dma_start3A_281 = arith.constant 1 : i32
      %dma_start3A_282 = arith.constant 0 : i32
      %dma_start3A_283 = arith.constant 0 : i32
      %dma_start3A_284 = tpu.memref_slice %arg7[%dma_start3A_281, %dma_start3A_282, %dma_start3A_283] : memref<2x5x40xi32, #tpu.memory_space<vmem>> -> memref<1x1x40xi32, #tpu.memory_space<vmem>>
      %dma_start3A_285 = tpu.memref_squeeze %dma_start3A_284 : memref<1x1x40xi32, #tpu.memory_space<vmem>> -> memref<40xi32, #tpu.memory_space<vmem>>
      %dma_start3A_286 = arith.constant 0 : i32
      %dma_start3A_287 = arith.constant 0 : i32
      %dma_start3A_288 = tpu.memref_slice %arg13[%dma_start3A_286, %dma_start3A_287] : memref<10240x128xf32, #tpu.memory_space<vmem_shared>> -> memref<10240x128xf32, #tpu.memory_space<vmem_shared>>
      tpu.enqueue_indirect_dma source(%arg8 : memref<40x128xf32, #tpu.memory_space<vmem>>) target(%dma_start3A_288 : memref<10240x128xf32, #tpu.memory_space<vmem_shared>>) offsets(%dma_start3A_285 : memref<40xi32, #tpu.memory_space<vmem>>) semaphore(%arg16 : memref<!tpu.dma_semaphore, #tpu.memory_space<semaphore_mem>>) {add = true}
      %dma_wait3A_289 = arith.constant 0 : i32
      %dma_wait3A_290 = arith.constant 1 : i32
      %dma_wait3A_291 = arith.constant 0 : i32
      %dma_wait3A_292 = tpu.memref_slice %arg7[%dma_wait3A_289, %dma_wait3A_290, %dma_wait3A_291] : memref<2x5x40xi32, #tpu.memory_space<vmem>> -> memref<1x1x40xi32, #tpu.memory_space<vmem>>
      %dma_wait3A_293 = tpu.memref_squeeze %dma_wait3A_292 : memref<1x1x40xi32, #tpu.memory_space<vmem>> -> memref<40xi32, #tpu.memory_space<vmem>>
      %dma_wait3A_294 = arith.constant 0 : i32
      %dma_wait3A_295 = arith.constant 0 : i32
      %dma_wait3A_296 = tpu.memref_slice %arg3[%dma_wait3A_294, %dma_wait3A_295] : memref<10000x128xf32, #tpu.memory_space<hbm>> -> memref<10000x128xf32, #tpu.memory_space<hbm>>
      tpu.wait_indirect_dma semaphore(%arg18 : memref<!tpu.dma_semaphore, #tpu.memory_space<semaphore_mem>>) src(%dma_wait3A_296 : memref<10000x128xf32, #tpu.memory_space<hbm>>) dst(%arg9 : memref<40x128xf32, #tpu.memory_space<vmem>>)
      %dma_start3A_297 = arith.constant 1 : i32
      %dma_start3A_298 = arith.constant 1 : i32
      %dma_start3A_299 = arith.constant 0 : i32
      %dma_start3A_300 = tpu.memref_slice %arg7[%dma_start3A_297, %dma_start3A_298, %dma_start3A_299] : memref<2x5x40xi32, #tpu.memory_space<vmem>> -> memref<1x1x40xi32, #tpu.memory_space<vmem>>
      %dma_start3A_301 = tpu.memref_squeeze %dma_start3A_300 : memref<1x1x40xi32, #tpu.memory_space<vmem>> -> memref<40xi32, #tpu.memory_space<vmem>>
      %dma_start3A_302 = arith.constant 0 : i32
      %dma_start3A_303 = arith.constant 0 : i32
      %dma_start3A_304 = tpu.memref_slice %arg13[%dma_start3A_302, %dma_start3A_303] : memref<10240x128xf32, #tpu.memory_space<vmem_shared>> -> memref<10240x128xf32, #tpu.memory_space<vmem_shared>>
      tpu.enqueue_indirect_dma source(%arg9 : memref<40x128xf32, #tpu.memory_space<vmem>>) target(%dma_start3A_304 : memref<10240x128xf32, #tpu.memory_space<vmem_shared>>) offsets(%dma_start3A_301 : memref<40xi32, #tpu.memory_space<vmem>>) semaphore(%arg16 : memref<!tpu.dma_semaphore, #tpu.memory_space<semaphore_mem>>) {add = true}
      %dma_wait3A_305 = arith.constant 0 : i32
      %dma_wait3A_306 = arith.constant 2 : i32
      %dma_wait3A_307 = arith.constant 0 : i32
      %dma_wait3A_308 = tpu.memref_slice %arg7[%dma_wait3A_305, %dma_wait3A_306, %dma_wait3A_307] : memref<2x5x40xi32, #tpu.memory_space<vmem>> -> memref<1x1x40xi32, #tpu.memory_space<vmem>>
      %dma_wait3A_309 = tpu.memref_squeeze %dma_wait3A_308 : memref<1x1x40xi32, #tpu.memory_space<vmem>> -> memref<40xi32, #tpu.memory_space<vmem>>
      %dma_wait3A_310 = arith.constant 0 : i32
      %dma_wait3A_311 = arith.constant 0 : i32
      %dma_wait3A_312 = tpu.memref_slice %arg3[%dma_wait3A_310, %dma_wait3A_311] : memref<10000x128xf32, #tpu.memory_space<hbm>> -> memref<10000x128xf32, #tpu.memory_space<hbm>>
      tpu.wait_indirect_dma semaphore(%arg19 : memref<!tpu.dma_semaphore, #tpu.memory_space<semaphore_mem>>) src(%dma_wait3A_312 : memref<10000x128xf32, #tpu.memory_space<hbm>>) dst(%arg10 : memref<40x128xf32, #tpu.memory_space<vmem>>)
      %dma_start3A_313 = arith.constant 1 : i32
      %dma_start3A_314 = arith.constant 2 : i32
      %dma_start3A_315 = arith.constant 0 : i32
      %dma_start3A_316 = tpu.memref_slice %arg7[%dma_start3A_313, %dma_start3A_314, %dma_start3A_315] : memref<2x5x40xi32, #tpu.memory_space<vmem>> -> memref<1x1x40xi32, #tpu.memory_space<vmem>>
      %dma_start3A_317 = tpu.memref_squeeze %dma_start3A_316 : memref<1x1x40xi32, #tpu.memory_space<vmem>> -> memref<40xi32, #tpu.memory_space<vmem>>
      %dma_start3A_318 = arith.constant 0 : i32
      %dma_start3A_319 = arith.constant 0 : i32
      %dma_start3A_320 = tpu.memref_slice %arg13[%dma_start3A_318, %dma_start3A_319] : memref<10240x128xf32, #tpu.memory_space<vmem_shared>> -> memref<10240x128xf32, #tpu.memory_space<vmem_shared>>
      tpu.enqueue_indirect_dma source(%arg10 : memref<40x128xf32, #tpu.memory_space<vmem>>) target(%dma_start3A_320 : memref<10240x128xf32, #tpu.memory_space<vmem_shared>>) offsets(%dma_start3A_317 : memref<40xi32, #tpu.memory_space<vmem>>) semaphore(%arg16 : memref<!tpu.dma_semaphore, #tpu.memory_space<semaphore_mem>>) {add = true}
      %dma_wait3A_321 = arith.constant 0 : i32
      %dma_wait3A_322 = arith.constant 3 : i32
      %dma_wait3A_323 = arith.constant 0 : i32
      %dma_wait3A_324 = tpu.memref_slice %arg7[%dma_wait3A_321, %dma_wait3A_322, %dma_wait3A_323] : memref<2x5x40xi32, #tpu.memory_space<vmem>> -> memref<1x1x40xi32, #tpu.memory_space<vmem>>
      %dma_wait3A_325 = tpu.memref_squeeze %dma_wait3A_324 : memref<1x1x40xi32, #tpu.memory_space<vmem>> -> memref<40xi32, #tpu.memory_space<vmem>>
      %dma_wait3A_326 = arith.constant 0 : i32
      %dma_wait3A_327 = arith.constant 0 : i32
      %dma_wait3A_328 = tpu.memref_slice %arg3[%dma_wait3A_326, %dma_wait3A_327] : memref<10000x128xf32, #tpu.memory_space<hbm>> -> memref<10000x128xf32, #tpu.memory_space<hbm>>
      tpu.wait_indirect_dma semaphore(%arg20 : memref<!tpu.dma_semaphore, #tpu.memory_space<semaphore_mem>>) src(%dma_wait3A_328 : memref<10000x128xf32, #tpu.memory_space<hbm>>) dst(%arg11 : memref<40x128xf32, #tpu.memory_space<vmem>>)
      %dma_start3A_329 = arith.constant 1 : i32
      %dma_start3A_330 = arith.constant 3 : i32
      %dma_start3A_331 = arith.constant 0 : i32
      %dma_start3A_332 = tpu.memref_slice %arg7[%dma_start3A_329, %dma_start3A_330, %dma_start3A_331] : memref<2x5x40xi32, #tpu.memory_space<vmem>> -> memref<1x1x40xi32, #tpu.memory_space<vmem>>
      %dma_start3A_333 = tpu.memref_squeeze %dma_start3A_332 : memref<1x1x40xi32, #tpu.memory_space<vmem>> -> memref<40xi32, #tpu.memory_space<vmem>>
      %dma_start3A_334 = arith.constant 0 : i32
      %dma_start3A_335 = arith.constant 0 : i32
      %dma_start3A_336 = tpu.memref_slice %arg13[%dma_start3A_334, %dma_start3A_335] : memref<10240x128xf32, #tpu.memory_space<vmem_shared>> -> memref<10240x128xf32, #tpu.memory_space<vmem_shared>>
      tpu.enqueue_indirect_dma source(%arg11 : memref<40x128xf32, #tpu.memory_space<vmem>>) target(%dma_start3A_336 : memref<10240x128xf32, #tpu.memory_space<vmem_shared>>) offsets(%dma_start3A_333 : memref<40xi32, #tpu.memory_space<vmem>>) semaphore(%arg16 : memref<!tpu.dma_semaphore, #tpu.memory_space<semaphore_mem>>) {add = true}
      %dma_wait3A_337 = arith.constant 0 : i32
      %dma_wait3A_338 = arith.constant 4 : i32
      %dma_wait3A_339 = arith.constant 0 : i32
      %dma_wait3A_340 = tpu.memref_slice %arg7[%dma_wait3A_337, %dma_wait3A_338, %dma_wait3A_339] : memref<2x5x40xi32, #tpu.memory_space<vmem>> -> memref<1x1x40xi32, #tpu.memory_space<vmem>>
      %dma_wait3A_341 = tpu.memref_squeeze %dma_wait3A_340 : memref<1x1x40xi32, #tpu.memory_space<vmem>> -> memref<40xi32, #tpu.memory_space<vmem>>
      %dma_wait3A_342 = arith.constant 0 : i32
      %dma_wait3A_343 = arith.constant 0 : i32
      %dma_wait3A_344 = tpu.memref_slice %arg3[%dma_wait3A_342, %dma_wait3A_343] : memref<10000x128xf32, #tpu.memory_space<hbm>> -> memref<10000x128xf32, #tpu.memory_space<hbm>>
      tpu.wait_indirect_dma semaphore(%arg21 : memref<!tpu.dma_semaphore, #tpu.memory_space<semaphore_mem>>) src(%dma_wait3A_344 : memref<10000x128xf32, #tpu.memory_space<hbm>>) dst(%arg12 : memref<40x128xf32, #tpu.memory_space<vmem>>)
      %dma_start3A_345 = arith.constant 1 : i32
      %dma_start3A_346 = arith.constant 4 : i32
      %dma_start3A_347 = arith.constant 0 : i32
      %dma_start3A_348 = tpu.memref_slice %arg7[%dma_start3A_345, %dma_start3A_346, %dma_start3A_347] : memref<2x5x40xi32, #tpu.memory_space<vmem>> -> memref<1x1x40xi32, #tpu.memory_space<vmem>>
      %dma_start3A_349 = tpu.memref_squeeze %dma_start3A_348 : memref<1x1x40xi32, #tpu.memory_space<vmem>> -> memref<40xi32, #tpu.memory_space<vmem>>
      %dma_start3A_350 = arith.constant 0 : i32
      %dma_start3A_351 = arith.constant 0 : i32
      %dma_start3A_352 = tpu.memref_slice %arg13[%dma_start3A_350, %dma_start3A_351] : memref<10240x128xf32, #tpu.memory_space<vmem_shared>> -> memref<10240x128xf32, #tpu.memory_space<vmem_shared>>
      tpu.enqueue_indirect_dma source(%arg12 : memref<40x128xf32, #tpu.memory_space<vmem>>) target(%dma_start3A_352 : memref<10240x128xf32, #tpu.memory_space<vmem_shared>>) offsets(%dma_start3A_349 : memref<40xi32, #tpu.memory_space<vmem>>) semaphore(%arg16 : memref<!tpu.dma_semaphore, #tpu.memory_space<semaphore_mem>>) {add = true}
    }
    %scan3A_19 = arith.constant 25 : i32
    %dma_wait3A = arith.constant 1 : i32
    %dma_wait3A_20 = arith.constant 0 : i32
    %dma_wait3A_21 = arith.constant 0 : i32
    %dma_wait3A_22 = tpu.memref_slice %arg7[%dma_wait3A, %dma_wait3A_20, %dma_wait3A_21] : memref<2x5x40xi32, #tpu.memory_space<vmem>> -> memref<1x1x40xi32, #tpu.memory_space<vmem>>
    %dma_wait3A_23 = tpu.memref_squeeze %dma_wait3A_22 : memref<1x1x40xi32, #tpu.memory_space<vmem>> -> memref<40xi32, #tpu.memory_space<vmem>>
    %dma_wait3A_24 = arith.constant 0 : i32
    %dma_wait3A_25 = arith.constant 0 : i32
    %dma_wait3A_26 = tpu.memref_slice %arg13[%dma_wait3A_24, %dma_wait3A_25] : memref<10240x128xf32, #tpu.memory_space<vmem_shared>> -> memref<10240x128xf32, #tpu.memory_space<vmem_shared>>
    tpu.wait_indirect_dma semaphore(%arg16 : memref<!tpu.dma_semaphore, #tpu.memory_space<semaphore_mem>>) src(%arg8 : memref<40x128xf32, #tpu.memory_space<vmem>>) dst(%dma_wait3A_26 : memref<10240x128xf32, #tpu.memory_space<vmem_shared>>)
    %dma_wait3A_27 = arith.constant 1 : i32
    %dma_wait3A_28 = arith.constant 1 : i32
    %dma_wait3A_29 = arith.constant 0 : i32
    %dma_wait3A_30 = tpu.memref_slice %arg7[%dma_wait3A_27, %dma_wait3A_28, %dma_wait3A_29] : memref<2x5x40xi32, #tpu.memory_space<vmem>> -> memref<1x1x40xi32, #tpu.memory_space<vmem>>
    %dma_wait3A_31 = tpu.memref_squeeze %dma_wait3A_30 : memref<1x1x40xi32, #tpu.memory_space<vmem>> -> memref<40xi32, #tpu.memory_space<vmem>>
    %dma_wait3A_32 = arith.constant 0 : i32
    %dma_wait3A_33 = arith.constant 0 : i32
    %dma_wait3A_34 = tpu.memref_slice %arg13[%dma_wait3A_32, %dma_wait3A_33] : memref<10240x128xf32, #tpu.memory_space<vmem_shared>> -> memref<10240x128xf32, #tpu.memory_space<vmem_shared>>
    tpu.wait_indirect_dma semaphore(%arg16 : memref<!tpu.dma_semaphore, #tpu.memory_space<semaphore_mem>>) src(%arg9 : memref<40x128xf32, #tpu.memory_space<vmem>>) dst(%dma_wait3A_34 : memref<10240x128xf32, #tpu.memory_space<vmem_shared>>)
    %dma_wait3A_35 = arith.constant 1 : i32
    %dma_wait3A_36 = arith.constant 2 : i32
    %dma_wait3A_37 = arith.constant 0 : i32
    %dma_wait3A_38 = tpu.memref_slice %arg7[%dma_wait3A_35, %dma_wait3A_36, %dma_wait3A_37] : memref<2x5x40xi32, #tpu.memory_space<vmem>> -> memref<1x1x40xi32, #tpu.memory_space<vmem>>
    %dma_wait3A_39 = tpu.memref_squeeze %dma_wait3A_38 : memref<1x1x40xi32, #tpu.memory_space<vmem>> -> memref<40xi32, #tpu.memory_space<vmem>>
    %dma_wait3A_40 = arith.constant 0 : i32
    %dma_wait3A_41 = arith.constant 0 : i32
    %dma_wait3A_42 = tpu.memref_slice %arg13[%dma_wait3A_40, %dma_wait3A_41] : memref<10240x128xf32, #tpu.memory_space<vmem_shared>> -> memref<10240x128xf32, #tpu.memory_space<vmem_shared>>
    tpu.wait_indirect_dma semaphore(%arg16 : memref<!tpu.dma_semaphore, #tpu.memory_space<semaphore_mem>>) src(%arg10 : memref<40x128xf32, #tpu.memory_space<vmem>>) dst(%dma_wait3A_42 : memref<10240x128xf32, #tpu.memory_space<vmem_shared>>)
    %dma_wait3A_43 = arith.constant 1 : i32
    %dma_wait3A_44 = arith.constant 3 : i32
    %dma_wait3A_45 = arith.constant 0 : i32
    %dma_wait3A_46 = tpu.memref_slice %arg7[%dma_wait3A_43, %dma_wait3A_44, %dma_wait3A_45] : memref<2x5x40xi32, #tpu.memory_space<vmem>> -> memref<1x1x40xi32, #tpu.memory_space<vmem>>
    %dma_wait3A_47 = tpu.memref_squeeze %dma_wait3A_46 : memref<1x1x40xi32, #tpu.memory_space<vmem>> -> memref<40xi32, #tpu.memory_space<vmem>>
    %dma_wait3A_48 = arith.constant 0 : i32
    %dma_wait3A_49 = arith.constant 0 : i32
    %dma_wait3A_50 = tpu.memref_slice %arg13[%dma_wait3A_48, %dma_wait3A_49] : memref<10240x128xf32, #tpu.memory_space<vmem_shared>> -> memref<10240x128xf32, #tpu.memory_space<vmem_shared>>
    tpu.wait_indirect_dma semaphore(%arg16 : memref<!tpu.dma_semaphore, #tpu.memory_space<semaphore_mem>>) src(%arg11 : memref<40x128xf32, #tpu.memory_space<vmem>>) dst(%dma_wait3A_50 : memref<10240x128xf32, #tpu.memory_space<vmem_shared>>)
    %dma_wait3A_51 = arith.constant 1 : i32
    %dma_wait3A_52 = arith.constant 4 : i32
    %dma_wait3A_53 = arith.constant 0 : i32
    %dma_wait3A_54 = tpu.memref_slice %arg7[%dma_wait3A_51, %dma_wait3A_52, %dma_wait3A_53] : memref<2x5x40xi32, #tpu.memory_space<vmem>> -> memref<1x1x40xi32, #tpu.memory_space<vmem>>
    %dma_wait3A_55 = tpu.memref_squeeze %dma_wait3A_54 : memref<1x1x40xi32, #tpu.memory_space<vmem>> -> memref<40xi32, #tpu.memory_space<vmem>>
    %dma_wait3A_56 = arith.constant 0 : i32
    %dma_wait3A_57 = arith.constant 0 : i32
    %dma_wait3A_58 = tpu.memref_slice %arg13[%dma_wait3A_56, %dma_wait3A_57] : memref<10240x128xf32, #tpu.memory_space<vmem_shared>> -> memref<10240x128xf32, #tpu.memory_space<vmem_shared>>
    tpu.wait_indirect_dma semaphore(%arg16 : memref<!tpu.dma_semaphore, #tpu.memory_space<semaphore_mem>>) src(%arg12 : memref<40x128xf32, #tpu.memory_space<vmem>>) dst(%dma_wait3A_58 : memref<10240x128xf32, #tpu.memory_space<vmem_shared>>)
    %barrier3A_59 = arith.constant 0 : index
    tpu.barrier barrier_id(%barrier3A_59)
    %mul3A_60 = arith.constant 640 : i32
    %mul3A_61 = arith.muli %arg1, %mul3A_60 : i32
    %mul3A_62 = arith.constant 640 : i32
    %mul3A_63 = arith.muli %arg1, %mul3A_62 : i32
    "tpu.region"() ({
      %run_scoped3A = tpu.sem_alloc : memref<!tpu.dma_semaphore, #tpu.memory_space<semaphore_mem>>
      %dma_start3A_64 = arith.constant 0 : i32
      %dma_start3A_65 = tpu.memref_slice %arg5[%arg0, %mul3A_63, %dma_start3A_64] : memref<2x10240x128xf32, #tpu.memory_space<hbm>> -> memref<1x640x128xf32, #tpu.memory_space<hbm>>
      %dma_start3A_66 = tpu.memref_squeeze %dma_start3A_65 : memref<1x640x128xf32, #tpu.memory_space<hbm>> -> memref<640x128xf32, #tpu.memory_space<hbm>>
      %dma_start3A_67 = arith.constant 0 : i32
      %dma_start3A_68 = tpu.memref_slice %arg13[%mul3A_61, %dma_start3A_67] : memref<10240x128xf32, #tpu.memory_space<vmem_shared>> -> memref<640x128xf32, #tpu.memory_space<vmem_shared>>
      tpu.enqueue_dma source(%dma_start3A_68 : memref<640x128xf32, #tpu.memory_space<vmem_shared>>) target(%dma_start3A_66 : memref<640x128xf32, #tpu.memory_space<hbm>>) target_semaphore(%run_scoped3A : memref<!tpu.dma_semaphore, #tpu.memory_space<semaphore_mem>>)
      %dma_wait3A_69 = arith.constant 0 : i32
      %dma_wait3A_70 = tpu.memref_slice %arg5[%arg0, %mul3A_63, %dma_wait3A_69] : memref<2x10240x128xf32, #tpu.memory_space<hbm>> -> memref<1x640x128xf32, #tpu.memory_space<hbm>>
      %dma_wait3A_71 = tpu.memref_squeeze %dma_wait3A_70 : memref<1x640x128xf32, #tpu.memory_space<hbm>> -> memref<640x128xf32, #tpu.memory_space<hbm>>
      %dma_wait3A_72 = arith.constant 0 : i32
      %dma_wait3A_73 = tpu.memref_slice %arg13[%mul3A_61, %dma_wait3A_72] : memref<10240x128xf32, #tpu.memory_space<vmem_shared>> -> memref<640x128xf32, #tpu.memory_space<vmem_shared>>
      tpu.wait_dma2 semaphore(%run_scoped3A : memref<!tpu.dma_semaphore, #tpu.memory_space<semaphore_mem>>) src(%dma_wait3A_73 : memref<640x128xf32, #tpu.memory_space<vmem_shared>>) dst(%dma_wait3A_71 : memref<640x128xf32, #tpu.memory_space<hbm>>)
      tpu.yield
    }) : () -> ()
    return
  }
}

#map = affine_map<(d0, d1) -> (0, 0, 0)>
#map1 = affine_map<(d0, d1) -> (0)>
module attributes {stable_mosaic.version = 14 : i64} {
  func.func @deg_kernel(%arg0: i32, %arg1: i32, %arg2: memref<32x125x80xi32, #tpu.memory_space<hbm>>, %arg3: memref<10240xf32, #tpu.memory_space<hbm>>, %arg4: memref<2x1x10240xf32, #tpu.memory_space<hbm>>, %arg5: memref<125x80xi32, #tpu.memory_space<vmem>>, %arg6: memref<80xf32, #tpu.memory_space<vmem>>, %arg7: memref<10240xf32, #tpu.memory_space<vmem_shared>>, %arg8: memref<!tpu.dma_semaphore, #tpu.memory_space<semaphore_mem>>) attributes {dimension_semantics = [#tpu.dimension_semantics<core_parallel>, #tpu.dimension_semantics<subcore_parallel>], iteration_bounds = array<i64: 2, 16>, scalar_prefetch = 0 : i64, scratch_operands = 4 : i64, tpu.core_type = #tpu.core_type<sc_vector_subcore>, window_params = [{transform_indices = #map}, {transform_indices = #map1}, {transform_indices = #map}]} {
    %mul3A = arith.constant 16 : i32
    %mul3A_0 = arith.muli %arg0, %mul3A : i32
    %add3A = arith.addi %mul3A_0, %arg1 : i32
    %eq3A = arith.constant 0 : i32
    %eq3A_1 = arith.cmpi eq, %arg1, %eq3A : i32
    %convert_element_type3A = arith.extui %eq3A_1 : i1 to i32
    %cond3A = arith.constant 0 : i32
    %cond3A_2 = arith.cmpi ne, %convert_element_type3A, %cond3A : i32
    scf.if %cond3A_2 {
      "tpu.region"() ({
        %run_scoped3A = tpu.sem_alloc : memref<!tpu.dma_semaphore, #tpu.memory_space<semaphore_mem>>
        tpu.enqueue_dma source(%arg3 : memref<10240xf32, #tpu.memory_space<hbm>>) target(%arg7 : memref<10240xf32, #tpu.memory_space<vmem_shared>>) target_semaphore(%run_scoped3A : memref<!tpu.dma_semaphore, #tpu.memory_space<semaphore_mem>>)
        tpu.wait_dma2 semaphore(%run_scoped3A : memref<!tpu.dma_semaphore, #tpu.memory_space<semaphore_mem>>) src(%arg3 : memref<10240xf32, #tpu.memory_space<hbm>>) dst(%arg7 : memref<10240xf32, #tpu.memory_space<vmem_shared>>)
        tpu.yield
      }) : () -> ()
    } else {
    }
    "tpu.region"() ({
      %run_scoped3A = tpu.sem_alloc : memref<!tpu.dma_semaphore, #tpu.memory_space<semaphore_mem>>
      %dma_start3A = arith.constant 0 : i32
      %dma_start3A_48 = arith.constant 0 : i32
      %dma_start3A_49 = tpu.memref_slice %arg2[%add3A, %dma_start3A, %dma_start3A_48] : memref<32x125x80xi32, #tpu.memory_space<hbm>> -> memref<1x125x80xi32, #tpu.memory_space<hbm>>
      %dma_start3A_50 = tpu.memref_squeeze %dma_start3A_49 : memref<1x125x80xi32, #tpu.memory_space<hbm>> -> memref<125x80xi32, #tpu.memory_space<hbm>>
      %dma_start3A_51 = arith.constant 0 : i32
      %dma_start3A_52 = arith.constant 0 : i32
      %dma_start3A_53 = tpu.memref_slice %arg2[%add3A, %dma_start3A_51, %dma_start3A_52] : memref<32x125x80xi32, #tpu.memory_space<hbm>> -> memref<1x125x80xi32, #tpu.memory_space<hbm>>
      %dma_start3A_54 = tpu.memref_squeeze %dma_start3A_53 : memref<1x125x80xi32, #tpu.memory_space<hbm>> -> memref<125x80xi32, #tpu.memory_space<hbm>>
      tpu.enqueue_dma source(%dma_start3A_54 : memref<125x80xi32, #tpu.memory_space<hbm>>) target(%arg5 : memref<125x80xi32, #tpu.memory_space<vmem>>) target_semaphore(%run_scoped3A : memref<!tpu.dma_semaphore, #tpu.memory_space<semaphore_mem>>)
      %dma_wait3A = arith.constant 0 : i32
      %dma_wait3A_55 = arith.constant 0 : i32
      %dma_wait3A_56 = tpu.memref_slice %arg2[%add3A, %dma_wait3A, %dma_wait3A_55] : memref<32x125x80xi32, #tpu.memory_space<hbm>> -> memref<1x125x80xi32, #tpu.memory_space<hbm>>
      %dma_wait3A_57 = tpu.memref_squeeze %dma_wait3A_56 : memref<1x125x80xi32, #tpu.memory_space<hbm>> -> memref<125x80xi32, #tpu.memory_space<hbm>>
      %dma_wait3A_58 = arith.constant 0 : i32
      %dma_wait3A_59 = arith.constant 0 : i32
      %dma_wait3A_60 = tpu.memref_slice %arg2[%add3A, %dma_wait3A_58, %dma_wait3A_59] : memref<32x125x80xi32, #tpu.memory_space<hbm>> -> memref<1x125x80xi32, #tpu.memory_space<hbm>>
      %dma_wait3A_61 = tpu.memref_squeeze %dma_wait3A_60 : memref<1x125x80xi32, #tpu.memory_space<hbm>> -> memref<125x80xi32, #tpu.memory_space<hbm>>
      tpu.wait_dma2 semaphore(%run_scoped3A : memref<!tpu.dma_semaphore, #tpu.memory_space<semaphore_mem>>) src(%dma_wait3A_61 : memref<125x80xi32, #tpu.memory_space<hbm>>) dst(%arg5 : memref<125x80xi32, #tpu.memory_space<vmem>>)
      tpu.yield
    }) : () -> ()
    %broadcast_in_dim3A = arith.constant 1.000000e+00 : f32
    %broadcast_in_dim3A_3 = vector.broadcast %broadcast_in_dim3A : f32 to vector<16xf32>
    %swap3A = arith.constant 0 : index
    %swap3A_4 = tpu.vector_load %arg6[%swap3A] {strides = array<i32>} : memref<80xf32, #tpu.memory_space<vmem>>, vector<16xf32>,
    %swap3A_5 = vector.shape_cast %swap3A_4 : vector<16xf32> to vector<16xf32>
    %swap3A_6 = vector.shape_cast %broadcast_in_dim3A_3 : vector<16xf32> to vector<16xf32>
    tpu.vector_store %arg6[%swap3A], %swap3A_6 {strides = array<i32>} : memref<80xf32, #tpu.memory_space<vmem>>, vector<16xf32>,
    %broadcast_in_dim3A_7 = arith.constant 1.000000e+00 : f32
    %broadcast_in_dim3A_8 = vector.broadcast %broadcast_in_dim3A_7 : f32 to vector<16xf32>
    %swap3A_9 = arith.constant 16 : index
    %swap3A_10 = tpu.vector_load %arg6[%swap3A_9] {strides = array<i32>} : memref<80xf32, #tpu.memory_space<vmem>>, vector<16xf32>,
    %swap3A_11 = vector.shape_cast %swap3A_10 : vector<16xf32> to vector<16xf32>
    %swap3A_12 = vector.shape_cast %broadcast_in_dim3A_8 : vector<16xf32> to vector<16xf32>
    tpu.vector_store %arg6[%swap3A_9], %swap3A_12 {strides = array<i32>} : memref<80xf32, #tpu.memory_space<vmem>>, vector<16xf32>,
    %broadcast_in_dim3A_13 = arith.constant 1.000000e+00 : f32
    %broadcast_in_dim3A_14 = vector.broadcast %broadcast_in_dim3A_13 : f32 to vector<16xf32>
    %swap3A_15 = arith.constant 32 : index
    %swap3A_16 = tpu.vector_load %arg6[%swap3A_15] {strides = array<i32>} : memref<80xf32, #tpu.memory_space<vmem>>, vector<16xf32>,
    %swap3A_17 = vector.shape_cast %swap3A_16 : vector<16xf32> to vector<16xf32>
    %swap3A_18 = vector.shape_cast %broadcast_in_dim3A_14 : vector<16xf32> to vector<16xf32>
    tpu.vector_store %arg6[%swap3A_15], %swap3A_18 {strides = array<i32>} : memref<80xf32, #tpu.memory_space<vmem>>, vector<16xf32>,
    %broadcast_in_dim3A_19 = arith.constant 1.000000e+00 : f32
    %broadcast_in_dim3A_20 = vector.broadcast %broadcast_in_dim3A_19 : f32 to vector<16xf32>
    %swap3A_21 = arith.constant 48 : index
    %swap3A_22 = tpu.vector_load %arg6[%swap3A_21] {strides = array<i32>} : memref<80xf32, #tpu.memory_space<vmem>>, vector<16xf32>,
    %swap3A_23 = vector.shape_cast %swap3A_22 : vector<16xf32> to vector<16xf32>
    %swap3A_24 = vector.shape_cast %broadcast_in_dim3A_20 : vector<16xf32> to vector<16xf32>
    tpu.vector_store %arg6[%swap3A_21], %swap3A_24 {strides = array<i32>} : memref<80xf32, #tpu.memory_space<vmem>>, vector<16xf32>,
    %broadcast_in_dim3A_25 = arith.constant 1.000000e+00 : f32
    %broadcast_in_dim3A_26 = vector.broadcast %broadcast_in_dim3A_25 : f32 to vector<16xf32>
    %swap3A_27 = arith.constant 64 : index
    %swap3A_28 = tpu.vector_load %arg6[%swap3A_27] {strides = array<i32>} : memref<80xf32, #tpu.memory_space<vmem>>, vector<16xf32>,
    %swap3A_29 = vector.shape_cast %swap3A_28 : vector<16xf32> to vector<16xf32>
    %swap3A_30 = vector.shape_cast %broadcast_in_dim3A_26 : vector<16xf32> to vector<16xf32>
    tpu.vector_store %arg6[%swap3A_27], %swap3A_30 {strides = array<i32>} : memref<80xf32, #tpu.memory_space<vmem>>, vector<16xf32>,
    %barrier3A = arith.constant 0 : index
    tpu.barrier barrier_id(%barrier3A)
    %scan3A = arith.constant 0 : i32
    %scan3A_31 = arith.constant 0 : i32
    %scan3A_32 = arith.constant 125 : i32
    %scan3A_33 = arith.addi %scan3A_31, %scan3A_32 : i32
    %scan3A_34 = arith.constant 1 : i32
    scf.for %scan3A_48 = %scan3A_31 to %scan3A_33 step %scan3A_34  : i32 {
      %dma_start3A = arith.constant 0 : i32
      %dma_start3A_49 = tpu.memref_slice %arg5[%scan3A_48, %dma_start3A] : memref<125x80xi32, #tpu.memory_space<vmem>> -> memref<1x80xi32, #tpu.memory_space<vmem>>
      %dma_start3A_50 = tpu.memref_squeeze %dma_start3A_49 : memref<1x80xi32, #tpu.memory_space<vmem>> -> memref<80xi32, #tpu.memory_space<vmem>>
      %dma_start3A_51 = arith.constant 0 : i32
      %dma_start3A_52 = tpu.memref_slice %arg7[%dma_start3A_51] : memref<10240xf32, #tpu.memory_space<vmem_shared>> -> memref<10240xf32, #tpu.memory_space<vmem_shared>>
      tpu.enqueue_indirect_dma source(%arg6 : memref<80xf32, #tpu.memory_space<vmem>>) target(%dma_start3A_52 : memref<10240xf32, #tpu.memory_space<vmem_shared>>) offsets(%dma_start3A_50 : memref<80xi32, #tpu.memory_space<vmem>>) semaphore(%arg8 : memref<!tpu.dma_semaphore, #tpu.memory_space<semaphore_mem>>) {add = true}
      %ge3A = arith.constant 8 : i32
      %ge3A_53 = arith.cmpi sge, %scan3A_48, %ge3A : i32
      %convert_element_type3A_54 = arith.extui %ge3A_53 : i1 to i32
      %cond3A_55 = arith.constant 0 : i32
      %cond3A_56 = arith.cmpi ne, %convert_element_type3A_54, %cond3A_55 : i32
      scf.if %cond3A_56 {
        %dma_wait3A = arith.constant 0 : i32
        %dma_wait3A_57 = tpu.memref_slice %arg5[%scan3A_48, %dma_wait3A] : memref<125x80xi32, #tpu.memory_space<vmem>> -> memref<1x80xi32, #tpu.memory_space<vmem>>
        %dma_wait3A_58 = tpu.memref_squeeze %dma_wait3A_57 : memref<1x80xi32, #tpu.memory_space<vmem>> -> memref<80xi32, #tpu.memory_space<vmem>>
        %dma_wait3A_59 = arith.constant 0 : i32
        %dma_wait3A_60 = tpu.memref_slice %arg7[%dma_wait3A_59] : memref<10240xf32, #tpu.memory_space<vmem_shared>> -> memref<10240xf32, #tpu.memory_space<vmem_shared>>
        tpu.wait_indirect_dma semaphore(%arg8 : memref<!tpu.dma_semaphore, #tpu.memory_space<semaphore_mem>>) src(%arg6 : memref<80xf32, #tpu.memory_space<vmem>>) dst(%dma_wait3A_60 : memref<10240xf32, #tpu.memory_space<vmem_shared>>)
      } else {
      }
    }
    %scan3A_35 = arith.constant 125 : i32
    %scan3A_36 = arith.constant 0 : i32
    %scan3A_37 = arith.constant 0 : i32
    %scan3A_38 = arith.constant 8 : i32
    %scan3A_39 = arith.addi %scan3A_37, %scan3A_38 : i32
    %scan3A_40 = arith.constant 1 : i32
    scf.for %scan3A_48 = %scan3A_37 to %scan3A_39 step %scan3A_40  : i32 {
      %dma_wait3A = arith.constant 0 : i32
      %dma_wait3A_49 = arith.constant 0 : i32
      %dma_wait3A_50 = tpu.memref_slice %arg5[%dma_wait3A, %dma_wait3A_49] : memref<125x80xi32, #tpu.memory_space<vmem>> -> memref<1x80xi32, #tpu.memory_space<vmem>>
      %dma_wait3A_51 = tpu.memref_squeeze %dma_wait3A_50 : memref<1x80xi32, #tpu.memory_space<vmem>> -> memref<80xi32, #tpu.memory_space<vmem>>
      %dma_wait3A_52 = arith.constant 0 : i32
      %dma_wait3A_53 = tpu.memref_slice %arg7[%dma_wait3A_52] : memref<10240xf32, #tpu.memory_space<vmem_shared>> -> memref<10240xf32, #tpu.memory_space<vmem_shared>>
      tpu.wait_indirect_dma semaphore(%arg8 : memref<!tpu.dma_semaphore, #tpu.memory_space<semaphore_mem>>) src(%arg6 : memref<80xf32, #tpu.memory_space<vmem>>) dst(%dma_wait3A_53 : memref<10240xf32, #tpu.memory_space<vmem_shared>>)
    }
    %scan3A_41 = arith.constant 8 : i32
    %barrier3A_42 = arith.constant 0 : index
    tpu.barrier barrier_id(%barrier3A_42)
    %eq3A_43 = arith.constant 0 : i32
    %eq3A_44 = arith.cmpi eq, %arg1, %eq3A_43 : i32
    %convert_element_type3A_45 = arith.extui %eq3A_44 : i1 to i32
    %cond3A_46 = arith.constant 0 : i32
    %cond3A_47 = arith.cmpi ne, %convert_element_type3A_45, %cond3A_46 : i32
    scf.if %cond3A_47 {
      %run_scoped3A = arith.constant 0 : i32
      "tpu.region"() ({
        %run_scoped3A_48 = tpu.sem_alloc : memref<!tpu.dma_semaphore, #tpu.memory_space<semaphore_mem>>
        %dma_start3A = arith.constant 0 : i32
        %dma_start3A_49 = tpu.memref_slice %arg4[%arg0, %run_scoped3A, %dma_start3A] : memref<2x1x10240xf32, #tpu.memory_space<hbm>> -> memref<1x1x10240xf32, #tpu.memory_space<hbm>>
        %dma_start3A_50 = tpu.memref_squeeze %dma_start3A_49 : memref<1x1x10240xf32, #tpu.memory_space<hbm>> -> memref<10240xf32, #tpu.memory_space<hbm>>
        tpu.enqueue_dma source(%arg7 : memref<10240xf32, #tpu.memory_space<vmem_shared>>) target(%dma_start3A_50 : memref<10240xf32, #tpu.memory_space<hbm>>) target_semaphore(%run_scoped3A_48 : memref<!tpu.dma_semaphore, #tpu.memory_space<semaphore_mem>>)
        %dma_wait3A = arith.constant 0 : i32
        %dma_wait3A_51 = tpu.memref_slice %arg4[%arg0, %run_scoped3A, %dma_wait3A] : memref<2x1x10240xf32, #tpu.memory_space<hbm>> -> memref<1x1x10240xf32, #tpu.memory_space<hbm>>
        %dma_wait3A_52 = tpu.memref_squeeze %dma_wait3A_51 : memref<1x1x10240xf32, #tpu.memory_space<hbm>> -> memref<10240xf32, #tpu.memory_space<hbm>>
        tpu.wait_dma2 semaphore(%run_scoped3A_48 : memref<!tpu.dma_semaphore, #tpu.memory_space<semaphore_mem>>) src(%arg7 : memref<10240xf32, #tpu.memory_space<vmem_shared>>) dst(%dma_wait3A_52 : memref<10240xf32, #tpu.memory_space<hbm>>)
        tpu.yield
      }) : () -> ()
    } else {
    }
    return
  }
}

module attributes {stable_mosaic.version = 14 : i64} {
  func.func @_tc1_body(%arg0: i32, %arg1: memref<1000x2xf32, #tpu.memory_space<vmem>>, %arg2: memref<1000x128xf32, #tpu.memory_space<vmem>>, %arg3: memref<128x128xf32, #tpu.memory_space<vmem>>, %arg4: memref<128x128xf32, #tpu.memory_space<vmem>>, %arg5: memref<1000x128xf32, #tpu.memory_space<vmem>>, %arg6: memref<1000x128xf32, #tpu.memory_space<vmem>>) attributes {dimension_semantics = [#tpu.dimension_semantics<arbitrary>], iteration_bounds = array<i64: 10>, scalar_prefetch = 0 : i64, scratch_operands = 0 : i64, tpu.core_type = #tpu.core_type<tc>, window_params = [{transform_indices = @transform_0, window_bounds = array<i64: 1000, 2>}, {transform_indices = @transform_1, window_bounds = array<i64: 1000, 128>}, {pipeline_mode = #tpu.pipeline_mode<synchronous>, transform_indices = @transform_2, window_bounds = array<i64: 128, 128>}, {pipeline_mode = #tpu.pipeline_mode<synchronous>, transform_indices = @transform_3, window_bounds = array<i64: 128, 128>}, {transform_indices = @transform_4, window_bounds = array<i64: 1000, 128>}, {transform_indices = @transform_5, window_bounds = array<i64: 1000, 128>}]} {
    %get3A = arith.constant 0 : index
    %get3A_0 = arith.constant 0 : index
    %get3A_1 = vector.load %arg2[%get3A, %get3A_0] : memref<1000x128xf32, #tpu.memory_space<vmem>>, vector<1000x128xf32>
    %get3A_2 = arith.constant 0 : index
    %get3A_3 = arith.constant 0 : index
    %get3A_4 = vector.load %arg4[%get3A_2, %get3A_3] : memref<128x128xf32, #tpu.memory_space<vmem>>, vector<128x128xf32>
    %get3A_5 = arith.constant 0 : index
    %get3A_6 = arith.constant 0 : index
    %get3A_7 = vector.load %arg1[%get3A_5, %get3A_6] : memref<1000x2xf32, #tpu.memory_space<vmem>>, vector<1000x2xf32>
    %slice3A = vector.extract_strided_slice %get3A_7 {offsets = [0, 0], sizes = [1000, 1], strides = [1, 1]} : vector<1000x2xf32> to vector<1000x1xf32>
    %slice3A_8 = vector.extract_strided_slice %get3A_7 {offsets = [0, 1], sizes = [1000, 1], strides = [1, 1]} : vector<1000x2xf32> to vector<1000x1xf32>
    %add3A = arith.addf %slice3A, %slice3A_8 : vector<1000x1xf32>
    %add3A_9 = arith.constant 1.000000e+00 : f32
    %add3A_10 = vector.broadcast %add3A_9 : f32 to vector<1000x1xf32>
    %add3A_11 = arith.addf %add3A, %add3A_10 : vector<1000x1xf32>
    %rsqrt3A = math.rsqrt %add3A_11 : vector<1000x1xf32>
    %get3A_12 = arith.constant 0 : index
    %get3A_13 = arith.constant 0 : index
    %get3A_14 = vector.load %arg3[%get3A_12, %get3A_13] : memref<128x128xf32, #tpu.memory_space<vmem>>, vector<128x128xf32>
    %dot_general3A = arith.constant dense<0.000000e+00> : vector<1000x128xf32>
    %dot_general3A_15 = tpu.matmul %get3A_1, %get3A_14, %dot_general3A {dimension_numbers = #tpu.dot_dimension_numbers<[1], [0], [0], [1], [0, 0, 1, 1], [], []>, precision = #tpu.contract_precision<fp32>, transpose_lhs_hint = false} : vector<1000x128xf32>, vector<128x128xf32>, vector<1000x128xf32> -> vector<1000x128xf32>
    %mul3A = vector.broadcast %rsqrt3A : vector<1000x1xf32> to vector<1000x128xf32>
    %mul3A_16 = arith.mulf %mul3A, %dot_general3A_15 : vector<1000x128xf32>
    %swap3A = arith.constant 0 : index
    %swap3A_17 = arith.constant 0 : index
    %swap3A_18 = vector.load %arg5[%swap3A, %swap3A_17] : memref<1000x128xf32, #tpu.memory_space<vmem>>, vector<1000x128xf32>
    tpu.vector_store %arg5[%swap3A, %swap3A_17], %mul3A_16 {strides = array<i32>} : memref<1000x128xf32, #tpu.memory_space<vmem>>, vector<1000x128xf32>,
    %transpose3A = tpu.transpose %get3A_4, [1, 0] : vector<128x128xf32> -> vector<128x128xf32>
    %sub3A = arith.subf %transpose3A, %get3A_4 : vector<128x128xf32>
    %dot_general3A_19 = arith.constant dense<0.000000e+00> : vector<1000x128xf32>
    %dot_general3A_20 = tpu.matmul %get3A_1, %sub3A, %dot_general3A_19 {dimension_numbers = #tpu.dot_dimension_numbers<[1], [0], [0], [1], [0, 0, 1, 1], [], []>, precision = #tpu.contract_precision<fp32>, transpose_lhs_hint = false} : vector<1000x128xf32>, vector<128x128xf32>, vector<1000x128xf32> -> vector<1000x128xf32>
    %mul3A_21 = arith.constant 1.000000e-01 : f32
    %mul3A_22 = vector.broadcast %mul3A_21 : f32 to vector<1000x128xf32>
    %mul3A_23 = arith.mulf %mul3A_22, %get3A_1 : vector<1000x128xf32>
    %sub3A_24 = arith.subf %dot_general3A_20, %mul3A_23 : vector<1000x128xf32>
    %swap3A_25 = arith.constant 0 : index
    %swap3A_26 = arith.constant 0 : index
    %swap3A_27 = vector.load %arg6[%swap3A_25, %swap3A_26] : memref<1000x128xf32, #tpu.memory_space<vmem>>, vector<1000x128xf32>
    tpu.vector_store %arg6[%swap3A_25, %swap3A_26], %sub3A_24 {strides = array<i32>} : memref<1000x128xf32, #tpu.memory_space<vmem>>, vector<1000x128xf32>,
    return
  }
  func.func @transform_0(%arg0: i32) -> (i32, i32) {
    %c0_i32 = arith.constant 0 : i32
    %c0_i32_0 = arith.constant 0 : i32
    return %arg0, %c0_i32 : i32, i32
  }
  func.func @transform_1(%arg0: i32) -> (i32, i32) {
    %c0_i32 = arith.constant 0 : i32
    %c0_i32_0 = arith.constant 0 : i32
    return %arg0, %c0_i32 : i32, i32
  }
  func.func @transform_2(%arg0: i32) -> (i32, i32) {
    %c0_i32 = arith.constant 0 : i32
    %c0_i32_0 = arith.constant 0 : i32
    %c0_i32_1 = arith.constant 0 : i32
    return %c0_i32, %c0_i32_0 : i32, i32
  }
  func.func @transform_3(%arg0: i32) -> (i32, i32) {
    %c0_i32 = arith.constant 0 : i32
    %c0_i32_0 = arith.constant 0 : i32
    %c0_i32_1 = arith.constant 0 : i32
    return %c0_i32, %c0_i32_0 : i32, i32
  }
  func.func @transform_4(%arg0: i32) -> (i32, i32) {
    %c0_i32 = arith.constant 0 : i32
    %c0_i32_0 = arith.constant 0 : i32
    return %arg0, %c0_i32 : i32, i32
  }
  func.func @transform_5(%arg0: i32) -> (i32, i32) {
    %c0_i32 = arith.constant 0 : i32
    %c0_i32_0 = arith.constant 0 : i32
    return %arg0, %c0_i32 : i32, i32
  }
}

module attributes {stable_mosaic.version = 14 : i64} {
  func.func @_tc3_body(%arg0: i32, %arg1: memref<1000x128xf32, #tpu.memory_space<vmem>>, %arg2: memref<1000x128xf32, #tpu.memory_space<vmem>>, %arg3: memref<1000x128xf32, #tpu.memory_space<vmem>>, %arg4: memref<2x1000x128xf32, #tpu.memory_space<vmem>>, %arg5: memref<1000x2xf32, #tpu.memory_space<vmem>>, %arg6: memref<1x128xf32, #tpu.memory_space<vmem>>, %arg7: memref<1000x128xf32, #tpu.memory_space<vmem>>) attributes {dimension_semantics = [#tpu.dimension_semantics<arbitrary>], iteration_bounds = array<i64: 10>, scalar_prefetch = 0 : i64, scratch_operands = 0 : i64, tpu.core_type = #tpu.core_type<tc>, window_params = [{transform_indices = @transform_0, window_bounds = array<i64: 1000, 128>}, {transform_indices = @transform_1, window_bounds = array<i64: 1000, 128>}, {transform_indices = @transform_2, window_bounds = array<i64: 1000, 128>}, {transform_indices = @transform_3, window_bounds = array<i64: 2, 1000, 128>}, {transform_indices = @transform_4, window_bounds = array<i64: 1000, 2>}, {pipeline_mode = #tpu.pipeline_mode<synchronous>, transform_indices = @transform_5, window_bounds = array<i64: 1, 128>}, {transform_indices = @transform_6, window_bounds = array<i64: 1000, 128>}]} {
    %get3A = arith.constant 0 : index
    %get3A_0 = arith.constant 0 : index
    %get3A_1 = vector.load %arg5[%get3A, %get3A_0] : memref<1000x2xf32, #tpu.memory_space<vmem>>, vector<1000x2xf32>
    %slice3A = vector.extract_strided_slice %get3A_1 {offsets = [0, 0], sizes = [1000, 1], strides = [1, 1]} : vector<1000x2xf32> to vector<1000x1xf32>
    %slice3A_2 = vector.extract_strided_slice %get3A_1 {offsets = [0, 1], sizes = [1000, 1], strides = [1, 1]} : vector<1000x2xf32> to vector<1000x1xf32>
    %add3A = arith.addf %slice3A, %slice3A_2 : vector<1000x1xf32>
    %add3A_3 = arith.constant 1.000000e+00 : f32
    %add3A_4 = vector.broadcast %add3A_3 : f32 to vector<1000x1xf32>
    %add3A_5 = arith.addf %add3A, %add3A_4 : vector<1000x1xf32>
    %rsqrt3A = math.rsqrt %add3A_5 : vector<1000x1xf32>
    %get3A_6 = arith.constant 0 : index
    %get3A_7 = arith.constant 0 : index
    %get3A_8 = arith.constant 0 : index
    %get3A_9 = vector.load %arg4[%get3A_6, %get3A_7, %get3A_8] : memref<2x1000x128xf32, #tpu.memory_space<vmem>>, vector<1x1000x128xf32>
    %get3A_10 = vector.shape_cast %get3A_9 : vector<1x1000x128xf32> to vector<1000x128xf32>
    %get3A_11 = arith.constant 1 : index
    %get3A_12 = arith.constant 0 : index
    %get3A_13 = arith.constant 0 : index
    %get3A_14 = vector.load %arg4[%get3A_11, %get3A_12, %get3A_13] : memref<2x1000x128xf32, #tpu.memory_space<vmem>>, vector<1x1000x128xf32>
    %get3A_15 = vector.shape_cast %get3A_14 : vector<1x1000x128xf32> to vector<1000x128xf32>
    %add3A_16 = arith.addf %get3A_10, %get3A_15 : vector<1000x128xf32>
    %get3A_17 = arith.constant 0 : index
    %get3A_18 = arith.constant 0 : index
    %get3A_19 = vector.load %arg3[%get3A_17, %get3A_18] : memref<1000x128xf32, #tpu.memory_space<vmem>>, vector<1000x128xf32>
    %add3A_20 = arith.addf %add3A_16, %get3A_19 : vector<1000x128xf32>
    %get3A_21 = arith.constant 0 : index
    %get3A_22 = arith.constant 0 : index
    %get3A_23 = vector.load %arg2[%get3A_21, %get3A_22] : memref<1000x128xf32, #tpu.memory_space<vmem>>, vector<1000x128xf32>
    %mul3A = vector.broadcast %rsqrt3A : vector<1000x1xf32> to vector<1000x128xf32>
    %mul3A_24 = arith.mulf %mul3A, %add3A_20 : vector<1000x128xf32>
    %add3A_25 = arith.addf %get3A_23, %mul3A_24 : vector<1000x128xf32>
    %get3A_26 = arith.constant 0 : index
    %get3A_27 = arith.constant 0 : index
    %get3A_28 = vector.load %arg6[%get3A_26, %get3A_27] : memref<1x128xf32, #tpu.memory_space<vmem>>, vector<1x128xf32>
    %add3A_29 = vector.broadcast %get3A_28 : vector<1x128xf32> to vector<1000x128xf32>
    %add3A_30 = arith.addf %add3A_25, %add3A_29 : vector<1000x128xf32>
    %get3A_31 = arith.constant 0 : index
    %get3A_32 = arith.constant 0 : index
    %get3A_33 = vector.load %arg1[%get3A_31, %get3A_32] : memref<1000x128xf32, #tpu.memory_space<vmem>>, vector<1000x128xf32>
    %tanh3A = math.tanh %add3A_30 : vector<1000x128xf32>
    %mul3A_34 = arith.constant 1.000000e-01 : f32
    %mul3A_35 = vector.broadcast %mul3A_34 : f32 to vector<1000x128xf32>
    %mul3A_36 = arith.mulf %mul3A_35, %tanh3A : vector<1000x128xf32>
    %add3A_37 = arith.addf %get3A_33, %mul3A_36 : vector<1000x128xf32>
    %swap3A = arith.constant 0 : index
    %swap3A_38 = arith.constant 0 : index
    %swap3A_39 = vector.load %arg7[%swap3A, %swap3A_38] : memref<1000x128xf32, #tpu.memory_space<vmem>>, vector<1000x128xf32>
    tpu.vector_store %arg7[%swap3A, %swap3A_38], %add3A_37 {strides = array<i32>} : memref<1000x128xf32, #tpu.memory_space<vmem>>, vector<1000x128xf32>,
    return
  }
  func.func @transform_0(%arg0: i32) -> (i32, i32) {
    %c0_i32 = arith.constant 0 : i32
    %c0_i32_0 = arith.constant 0 : i32
    return %arg0, %c0_i32 : i32, i32
  }
  func.func @transform_1(%arg0: i32) -> (i32, i32) {
    %c0_i32 = arith.constant 0 : i32
    %c0_i32_0 = arith.constant 0 : i32
    return %arg0, %c0_i32 : i32, i32
  }
  func.func @transform_2(%arg0: i32) -> (i32, i32) {
    %c0_i32 = arith.constant 0 : i32
    %c0_i32_0 = arith.constant 0 : i32
    return %arg0, %c0_i32 : i32, i32
  }
  func.func @transform_3(%arg0: i32) -> (i32, i32, i32) {
    %c0_i32 = arith.constant 0 : i32
    %c0_i32_0 = arith.constant 0 : i32
    %c0_i32_1 = arith.constant 0 : i32
    return %c0_i32, %arg0, %c0_i32_0 : i32, i32, i32
  }
  func.func @transform_4(%arg0: i32) -> (i32, i32) {
    %c0_i32 = arith.constant 0 : i32
    %c0_i32_0 = arith.constant 0 : i32
    return %arg0, %c0_i32 : i32, i32
  }
  func.func @transform_5(%arg0: i32) -> (i32, i32) {
    %c0_i32 = arith.constant 0 : i32
    %c0_i32_0 = arith.constant 0 : i32
    %c0_i32_1 = arith.constant 0 : i32
    return %c0_i32, %c0_i32_0 : i32, i32
  }
  func.func @transform_6(%arg0: i32) -> (i32, i32) {
    %c0_i32 = arith.constant 0 : i32
    %c0_i32_0 = arith.constant 0 : i32
    return %arg0, %c0_i32 : i32, i32
  }
}

</mosaic_0001>

<sc_bundles>
// kernel: kernel.6.cloned.1.call-start
scs
__scs_entry_jumppad:
0x0: {  	(pc) =	sbr.rel $0x88, $3  }
0x1: {  	(tag) =	ssettag $0x0;
	lr =	simm.s32 $0x1  }
0x2: {  	[smem:$0x3F9C] =	sst lr;
	_ =	strace $0xD0000000  }
0x3: {  	_ = 	snop  }
0x4: {  	_ = 	snop  }
0x5: {  	_ = 	snop  }
0x6: {  	_ = 	snop  }
0x7: {  	_ = 	snop  }
__scs_overlays_trampoline_lowered:
0x8: {  	[smem:$0x3FAB] =	sst s0  }
0x9: {  	[smem:$0x3FAC] =	sst s1  }
0xa: {  	[smem:$0x3FAD] =	sst s2  }
0xb: {  	[smem:$0x3FAE] =	sst s3  }
0xc: {  	[smem:$0x3FAF] =	sst s4  }
0xd: {  	[smem:$0x3FB0] =	sst s5  }
0xe: {  	[smem:$0x3FB1] =	sst s6  }
0xf: {  	[smem:$0x3FB2] =	sst s7  }
0x10: {  	[smem:$0x3FB3] =	sst s8  }
0x11: {  	[smem:$0x3FB4] =	sst s9;
	s0 =	simm.s32 @!p0 $0x0  }
0x12: {  	s1 =	sld [smem:$0x3F9A];
	s0 =	simm.s32 @p0 $0x1  }
0x13: {  	[smem:$0x3FB5] =	sst s0;
	s0 =	simm.s32 @!p1 $0x0  }
0x14: {  	s2 =	sld [smem:$0x3F99];
	s0 =	simm.s32 @p1 $0x1  }
0x15: {  	[smem:$0x3FB6] =	sst s0;
	s0 =	simm.s32 @!p2 $0x0  }
0x16: {  	s3 =	sld [smem:$0x3FDB];
	s0 =	simm.s32 @p2 $0x1  }
0x17: {  	s4 =	simm.s32 $0x1BF5;
	[smem:$0x3FB8] =	sst s0  }
0x18: {  	s0 =	sld [smem:$0x3F9B];
	_ =	swait.ge [sflag:s4], $0x0  }
0x19: {  	s7 =	sld [smem:$0x3F9C]  }
0x1a: {  	s8 =	sadd.s32 $0xFFFFE003, lr  }
0x1b: {  	s9 =	sadd.s32 $0xFFFFFEF7, lr;
	s5 =	simm.s32 $0xFFFFFFFF;
	p2 =	slt.u32 s8, $0xFFFFF086  }
0x1c: {  	p1 =	slt.u32 s9, $0xF7A;
	s5 =	simm.s32 @!p2 $0x0  }
0x1d: {  	s5 =	simm.s32 @p1 $0x1;
	p0 =	seq.s32 s7, s2  }
0x1e: {  	s7 =	smul.u32 @!p0 $0xF7A, s2;
	p2 =	seq.s32 @!p0 s5, $0x0  }
0x1f: {  	s9 =	smul.u32 $0xF7A, s1;
	s8 =	simm.s32 @!p0 $0x1BF5;
	p2 =	por !p2, p0  }
0x20: {  	[sflag:s8] =	ssyncset.s32 @!p0 $0xFFFFF086;
	s6 =	sadd.s32 @!p0 s3, s7;
	s7 =	simm.s32 @!p0 $0x108  }
0x21: {  	s3 =	sadd.s32 s3, s9;
	s6 =	sadd.s32 @!p0 $0x88, s6;
	s7 =	simm.s32 @p2 $0x1082  }
0x22: {  	[simem:s7], [sflag:s8] =	dma.local @!p0 [hbm:s6], $0xF7A  }
0x23: {  	s9 =	sor.u32 $0xD0000000, s2;
	s6 =	simm.s32 $0x108;
	_ =	swait.ge @!p0 [sflag:s8], $0x0  }
0x24: {  	s3 =	sadd.s32 $0x88, s3;
	s6 =	simm.s32 @!p1 $0x1082;
	[sflag:s4] =	ssyncset.s32 $0xFFFFF086  }
0x25: {  	[simem:s6], [sflag:s4] =	dma.local [hbm:s3], $0xF7A  }
0x26: {  	[smem:$0x3F9C] =	sst s1;
	(tag) =	ssettag s2;
	_ =	strace s9  }
0x27: {  	s1 =	sld [smem:$0x3FAC]  }
0x28: {  	s2 =	sld [smem:$0x3FAD]  }
0x29: {  	s4 =	sld [smem:$0x3FAF]  }
0x2a: {  	p0 =	seq.s32 s5, $0x0;
	s5 =	sld [smem:$0x3FB0]  }
0x2b: {  	s6 =	sld [smem:$0x3FB1]  }
0x2c: {  	s7 =	sld [smem:$0x3FB2]  }
0x2d: {  	s3 =	simm.s32 $0x108;
	s8 =	sld [smem:$0x3FB3]  }
0x2e: {  	s3 =	simm.s32 @!p0 $0x1082;
	s9 =	sld [smem:$0x3FB4]  }
0x2f: {  	lr =	sadd.s32 s0, s3;
	s0 =	sld [smem:$0x3FAB]  }
0x30: {  	s3 =	sld [smem:$0x3FAE]  }
0x31: {  	[smem:$0x3FB7] =	sst s10  }
0x32: {  	s10 =	sld [smem:$0x3FB5];
	_ =	sdelay $0x3  }
0x33: {  	p0 =	seq.s32 s10, $0x1;
	s10 =	sld [smem:$0x3FB7];
	_ =	sdelay $0x3  }
0x34: {  	[smem:$0x3FB7] =	sst s10  }
0x35: {  	s10 =	sld [smem:$0x3FB6];
	_ =	sdelay $0x3  }
0x36: {  	p1 =	seq.s32 s10, $0x1;
	s10 =	sld [smem:$0x3FB7];
	_ =	sdelay $0x3  }
0x37: {  	[smem:$0x3FB7] =	sst s10  }
0x38: {  	s10 =	sld [smem:$0x3FB8]  }
0x39: {  	_ = 	snop;
	(pc) =	sbr.ind lr, $3  }
0x3a: {  	_ = 	snop  }
0x3b: {  	_ = 	snop  }
0x3c: {  	p2 =	seq.s32 s10, $0x1;
	s10 =	sld [smem:$0x3FB7]  }
0x3d: {  	_ =	shalt  }
0x3e: {  	_ =	shalt  }
0x3f: {  	_ =	shalt  }
0x40: {  	_ =	shalt  }
0x41: {  	_ =	shalt  }
0x42: {  	_ =	shalt  }
0x43: {  	_ =	shalt  }
0x44: {  	_ =	shalt  }
0x45: {  	_ =	shalt  }
0x46: {  	_ =	shalt  }
0x47: {  	_ =	shalt  }
0x48: {  	_ =	shalt  }
0x49: {  	_ =	shalt  }
0x4a: {  	_ =	shalt  }
0x4b: {  	_ =	shalt  }
0x4c: {  	_ =	shalt  }
0x4d: {  	_ =	shalt  }
0x4e: {  	_ =	shalt  }
0x4f: {  	_ =	shalt  }
0x50: {  	_ =	shalt  }
0x51: {  	_ =	shalt  }
0x52: {  	_ =	shalt  }
0x53: {  	_ =	shalt  }
0x54: {  	_ =	shalt  }
0x55: {  	_ =	shalt  }
0x56: {  	_ =	shalt  }
0x57: {  	_ =	shalt  }
0x58: {  	_ =	shalt  }
0x59: {  	_ =	shalt  }
0x5a: {  	_ =	shalt  }
0x5b: {  	_ =	shalt  }
0x5c: {  	_ =	shalt  }
0x5d: {  	_ =	shalt  }
0x5e: {  	_ =	shalt  }
0x5f: {  	_ =	shalt  }
0x60: {  	_ =	shalt  }
0x61: {  	_ =	shalt  }
0x62: {  	_ =	shalt  }
0x63: {  	_ =	shalt  }
0x64: {  	_ =	shalt  }
0x65: {  	_ =	shalt  }
0x66: {  	_ =	shalt  }
0x67: {  	_ =	shalt  }
0x68: {  	_ =	shalt  }
0x69: {  	_ =	shalt  }
0x6a: {  	_ =	shalt  }
0x6b: {  	_ =	shalt  }
0x6c: {  	_ =	shalt  }
0x6d: {  	_ =	shalt  }
0x6e: {  	_ =	shalt  }
0x6f: {  	_ =	shalt  }
0x70: {  	_ =	shalt  }
0x71: {  	_ =	shalt  }
0x72: {  	_ =	shalt  }
0x73: {  	_ =	shalt  }
0x74: {  	_ =	shalt  }
0x75: {  	_ =	shalt  }
0x76: {  	_ =	shalt  }
0x77: {  	_ =	shalt  }
0x78: {  	_ =	shalt  }
0x79: {  	_ =	shalt  }
0x7a: {  	_ =	shalt  }
0x7b: {  	_ =	shalt  }
0x7c: {  	_ =	shalt  }
0x7d: {  	_ =	shalt  }
0x7e: {  	_ =	shalt  }
0x7f: {  	_ =	shalt  }
0x80: {  	_ =	shalt  }
0x81: {  	_ =	shalt  }
0x82: {  	_ =	shalt  }
0x83: {  	_ =	shalt  }
0x84: {  	_ =	shalt  }
0x85: {  	_ =	shalt  }
0x86: {  	_ =	shalt  }
0x87: {  	_ =	shalt  }
.Lfunc_end0:
.L_simem_size_0:
called_computation_lowered:
.L_overlay_start_0:
0x88: {  	s2 =	sld [smem:$0x3FD9]  }
0x89: {  	s3 =	sld [smem:$0x3FFE];
	_ =	sdelay $0x1  }
0x8a: {  	s1 =	srdreg.scid  }
0x8b: {  	s0 =	sand.u32 $0x1, s1  }
0x8c: {  	s17 =	sshll.u32 s0, $0xA;
	s2 =	sadd.s32 s3, s2  }
0x8d: {  	s2 =	sadd.s32 s2, s17  }
0x8e: {  	[smem:$0x3FC3] =	sst s2  }
0x8f: {  	_ = 	snop  }
0x90: {  	s2 =	sld [smem:$0x3FD0];
	(tm) =	ssettm $0x1  }
0x91: {  	s18 =	sld [smem:$0x3FFB];
	_ =	sdelay $0x3  }
0x92: {  	_ =	strace s18  }
0x93: {  	s3 =	sld [smem:$0x3FFC];
	_ =	sdelay $0x3  }
0x94: {  	_ =	strace s3  }
0x95: {  	s3 =	sld [smem:$0x3FFD];
	_ =	sdelay $0x3  }
0x96: {  	_ =	strace s3  }
0x97: {  	_ =	strace $0x8FFFFFFF  }
0x98: {  	s19 =	sld [smem:$0x3FDB];
	_ =	sdelay $0x1  }
0x99: {  	s4 =	simm.s32 $_scs_section_size  }
0x9a: {  	s5 =	simm.s32 $_size__tile_overlayer_lowered;
	s6 =	simm.s32 $_tile_overlayer_lowered  }
0x9b: {  	s22 =	simm.s32 $0x1BFF;
	s21 =	sshll.u32 s6, $0x1;
	s3 =	sadd.s32 s4, s19  }
0x9c: {  	s7 =	simm.s32 $0x0;
	s20 =	sshll.u32 s5, $0x1;
	s5 =	sadd.s32 s21, s3  }
0x9d: {  	[timem:s7], [sflag:s22] =	dma.local [hbm:s5], s20  }
0x9e: {  	_ =	swait.ge [sflag:s22], s20  }
0x9f: {  	s4 =	ssub.s32 $0x0, s20;
	[sflag:s22] =	ssyncset.done $0x0  }
0xa0: {  	[sflag:s22] =	ssyncadd.s32 s4;
	_ =	sdelay $0x1  }
0xa1: {  	s23 =	simm.s32 $0x1B8B  }
0xa2: {  	_ =	swait.ge [sflag:s23], $0x1  }
0xa3: {  	[sflag:s23] =	ssyncset.done $0x0  }
0xa4: {  	s25 =	simm.s32 $0x1B8E;
	s24 =	sld [smem:$0x3FFE];
	[sflag:s23] =	ssyncadd.s32 $0xFFFFFFFF  }
0xa5: {  	s26 =	simm.s32 $execute0_lowered;
	[smem:$0x3FD2] =	sst s25  }
0xa6: {  	s5 =	sshll.u32 s26, $0x1;
	_ =	strace $0x80000046;
	[dreg:$0x1] =	wrdreg $0xFFFFFFFF  }
0xa7: {  	s28 =	simm.s32 $_size_execute0_lowered;
	s3 =	sadd.s32 s3, s5;
	[dreg:$0x0] =	wrdreg $0x0  }
0xa8: {  	s5 =	sshll.u32 s28, $0x1;
	[dreg:$0x2] =	wrdreg s3  }
0xa9: {  	[dreg:$0x3] =	wrdreg s5  }
0xaa: {  	[dreg:$0x4] =	wrdreg $0xC0  }
0xab: {  	_ =	task [dreg:s7], $0x5FFFF  }
0xac: {  	[dreg:$0x1] =	wrdreg $0xFFFFFFFF  }
0xad: {  	[dreg:$0x0] =	wrdreg $0x60  }
0xae: {  	[dreg:$0x2] =	wrdreg s2  }
0xaf: {  	[dreg:$0x3] =	wrdreg s24  }
0xb0: {  	[dreg:$0x4] =	wrdreg $0x40800  }
0xb1: {  	[dreg:$0x5] =	wrdreg $0x9  }
0xb2: {  	_ =	task.clear_ibuf [dreg:s7], $0x6FFFF;
	_ =	strace $0x90000046  }
0xb3: {  	s29 =	simm.s32 $0x9;
	_ =	strace $0x80000048  }
0xb4: {  	_ =	swait.ge [sflag:s29], $0x1  }
0xb5: {  	[sflag:s29] =	ssyncadd.s32 $0xFFFFFFFF  }
0xb6: {  	_ =	strace $0x90000048  }
0xb7: {  	_ =	sfence  }
0xb8: {  	s30 =	sld [smem:$0x0];
	_ =	sdelay $0x2  }
0xb9: {  	s31 =	sshll.u32 s1, $0xD;
	s1 =	sshrl.u32 s1, $0x2  }
0xba: {  	s3 =	sand.u32 $0x4000, s31;
	s1 =	sadd.s32 s1, s30  }
0xbb: {  	s0 =	sor.u32 s3, s0;
	s1 =	sshll.u32 s1, $0x11  }
0xbc: {  	s0 =	sor.u32 s1, s0  }
0xbd: {  	s0 =	sadd.s32 $0x8F2B, s0  }
0xbe: {  	[sflag:s0] =	ssyncadd.remote.s32 $0x1  }
0xbf: {  	_ =	sfence.sel $0xFFFF  }
0xc0: {  	[dreg:$0x0] =	wrdreg $0xFFFFFFFF;
	(pc) =	sbr.abs _section_cstart, $3  }
0xc1: {  	[dreg:$0x1] =	wrdreg $0xFFFFFFFF  }
0xc2: {  	_ =	task.clear_ibuf [dreg:s7], $0x2FFFF;
	_ =	strace $0x9FFFFFFF  }
0xc3: {  	(tm) =	ssettm $0x7FFFFFFF  }
tec
execute0_lowered:
.L_overlay_start_1:
0x0: {  	(tag) =	ssettag $0x1  }
0x1: {  	s4 =	rddreg [dreg:$0x0]  }
0x2: {  	s5 =	rddreg [dreg:$0x1]  }
0x3: {  	s1 =	rddreg [dreg:$0x2]  }
0x4: {  	s0 =	rddreg [dreg:$0x3];
	s2 =	simm.s32 $0x0  }
0x5: {  	s6 =	srdreg.scid;
	s7 =	stileid.u32;
	s12 =	simm.s32 $0x0  }
0x6: {  	[smem:$0x7FF] =	sst s2;
	s3 =	sadd.s32 $0x1400, s5;
	s6 =	sand.u32 $0x1, s6  }
0x7: {  	s10 =	sshll.u32 s7, $0xB;
	p0 =	sne.s32 s7, $0x0;
	_ =	strace $0x80000047  }
0x8: {  	s8 =	smul.u32 $0x500, s6;
	s9 =	ssub.s32 $0x2, s6;
	s6 =	sshll.u32 s6, $0xF  }
0x9: {  	s4 =	sadd.s32 s4, s10;
	s7 =	sshrl.u32 @!p0 s1, $0x3;
	s10 =	simm.s32 $0x4000  }
0xa: {  	s11 =	sshrl.u32 s9, $0x1;
	s4 =	sadd.s32 s6, s4;
	s5 =	sadd.s32 s8, s5  }
0xb: {  	s31 =	ssub.s32 s9, s11;
	s8 =	simm.s32 $0x2;
	s9 =	simm.s32 $0x50  }
0xc: {  	v0 =	vimm.f32 $1.000000000e+00;
	s11 =	simm.s32 $0x1;
	s5 =	sadd.s32 $0x1A00, s5;
	s6 =	smax.u32 s31, $0x1  }
.LBB2_1:
0xd: {  	s13 =	simm.s32 @!p0 $0x1C02  }
0xe: {  	[spmem:s7], [sflag:s13] =	dma.local @!p0 [hbm:s3], $0x500  }
0xf: {  	s13 =	simm.s32 @!p0 $0x2  }
0x10: {  	_ =	swait.ge @!p0 [sflag:s13], $0x500  }
0x11: {  	[sflag:s13] =	ssyncset.done @!p0 $0x0  }
0x12: {  	[sflag:s13] =	ssyncadd.s32 @!p0 $0xFFFFFB00  }
0x13: {  	[tilespmem:s2], [sflag:$0x2] =	stream.linear.gather [hbm4b:s4+s2], $0x3E80, $0x38;
	[tilespmem:$0x4300] =	vst v63  }
0x14: {  	_ =	swait.ge [sflag:s8], $0x3E80  }
0x15: {  	[sflag:s8] =	ssyncset.done $0x0  }
0x16: {  	[sflag:s8] =	ssyncadd.s32 $0xFFFFC180  }
0x17: {  	[tilespmem:$0x4000] =	vst v0  }
0x18: {  	[tilespmem:$0x4010] =	vst v0  }
0x19: {  	[tilespmem:$0x4020] =	vst v0  }
0x1a: {  	[tilespmem:$0x4030] =	vst v0  }
0x1b: {  	p1 =	por $0x1, $0x1;
	[tilespmem:$0x4040] =	vst v0  }
0x1c: {  	s15 =	simm.s32 @!p1 $0x1;
	[bflag:$0x0] =	sbarrier.arrive $0xFFFF  }
0x1d: {  	[spmem:s1] =	stream.indirect.scatter.add.f32 [tilespmem:s10], [sflag:$0x1], $0x1, s2, s9, $0xb8;
	[tilespmem:$0x4300] =	vst v63  }
0x1e: {  	_ =	swait.ge @!p1 [sflag:s15], $0x50  }
0x1f: {  	s14 =	simm.s32 $0x0;
	s13 =	simm.s32 $0x1;
	[sflag:s15] =	ssyncset.done @!p1 $0x0  }
.LBB2_2:
0x20: {  	[sflag:s15] =	ssyncadd.s32 @!p1 $0xFFFFFFB0  }
0x21: {  	s14 =	sadd.s32 $0x80, s14;
	s15 =	smov.u32 s13;
	s13 =	sadd.s32 $0x1, s13  }
0x22: {  	p2 =	sne.s32 s13, $0x7D  }
0x23: {  	[spmem:s1] =	stream.indirect.scatter.add.f32 [tilespmem:s10], [sflag:$0x1], $0x1, s14, s9, $0xb8;
	[tilespmem:$0x4300] =	vst v63  }
.Ltmp0:
0x24: {  	_ = 	snop;
	(pc) =	sbr.rel @p2 .LBB2_2-.Ltmp0, $4  }
0x25: {  	p1 =	slt.u32 s15, $0x8  }
0x26: {  	s15 =	simm.s32 @!p1 $0x1  }
0x27: {  	_ =	swait.ge @!p1 [sflag:s15], $0x50  }
0x28: {  	[sflag:s15] =	ssyncset.done @!p1 $0x0  }
0x29: {  	[sflag:s15] =	ssyncadd.s32 @!p1 $0xFFFFFFB0  }
0x2a: {  	_ =	swait.ge [sflag:s11], $0x50  }
0x2b: {  	[sflag:s11] =	ssyncset.done $0x0  }
0x2c: {  	[sflag:s11] =	ssyncadd.s32 $0xFFFFFFB0  }
0x2d: {  	_ =	swait.ge [sflag:s11], $0x50  }
0x2e: {  	[sflag:s11] =	ssyncset.done $0x0  }
0x2f: {  	[sflag:s11] =	ssyncadd.s32 $0xFFFFFFB0  }
0x30: {  	_ =	swait.ge [sflag:s11], $0x50  }
0x31: {  	[sflag:s11] =	ssyncset.done $0x0  }
0x32: {  	[sflag:s11] =	ssyncadd.s32 $0xFFFFFFB0  }
0x33: {  	_ =	swait.ge [sflag:s11], $0x50  }
0x34: {  	[sflag:s11] =	ssyncset.done $0x0  }
0x35: {  	[sflag:s11] =	ssyncadd.s32 $0xFFFFFFB0  }
0x36: {  	_ =	swait.ge [sflag:s11], $0x50  }
0x37: {  	[sflag:s11] =	ssyncset.done $0x0  }
0x38: {  	[sflag:s11] =	ssyncadd.s32 $0xFFFFFFB0  }
0x39: {  	_ =	swait.ge [sflag:s11], $0x50  }
0x3a: {  	[sflag:s11] =	ssyncset.done $0x0  }
0x3b: {  	[sflag:s11] =	ssyncadd.s32 $0xFFFFFFB0  }
0x3c: {  	_ =	swait.ge [sflag:s11], $0x50  }
0x3d: {  	[sflag:s11] =	ssyncset.done $0x0  }
0x3e: {  	[sflag:s11] =	ssyncadd.s32 $0xFFFFFFB0  }
0x3f: {  	_ =	swait.ge [sflag:s11], $0x50  }
0x40: {  	[sflag:s11] =	ssyncset.done $0x0  }
0x41: {  	s12 =	sadd.s32 $0x1, s12;
	[sflag:s11] =	ssyncadd.s32 $0xFFFFFFB0  }
0x42: {  	s13 =	simm.s32 @!p0 $0x1C02;
	p1 =	sne.s32 s12, s6;
	[bflag:$0x0] =	sbarrier.arrive $0xFFFF  }
0x43: {  	[hbm:s5], [sflag:s13] =	dma.local @!p0 [spmem:s7], $0x500  }
.Ltmp1:
0x44: {  	_ = 	snop;
	(pc) =	sbr.rel @p1 .LBB2_1-.Ltmp1, $4  }
0x45: {  	s13 =	simm.s32 @!p0 $0x2  }
0x46: {  	_ =	swait.ge @!p0 [sflag:s13], $0x500  }
0x47: {  	[sflag:s13] =	ssyncset.done @!p0 $0x0  }
0x48: {  	[sflag:s13] =	ssyncadd.s32 @!p0 $0xFFFFFB00  }
0x49: {  	_ =	sfence.sel $0x180000  }
0x4a: {  	[bflag:$0x0] =	sbarrier.arrive $0xFFFF  }
0x4b: {  	_ =	strace $0x90000047  }
0x4c: {  	s0 =	sadd.s32 @!p0 $0x100000, s0;
	[bflag:$0x2] =	sbarrier.arrive $0xFFFF  }
0x4d: {  	[sflag:s0] =	ssyncadd.tile.s32 @!p0 $0x1;
	_ =	shalt  }
.Lfunc_end2:
_tile_overlayer_lowered:
.L_overlay_start_2:
0x4e: {  	(tag) =	ssettag $0x2  }
0x4f: {  	s0 =	rddreg [dreg:$0x0];
	s2 =	stileid.u32  }
0x50: {  	s1 =	rddreg [dreg:$0x1];
	p0 =	sne.s32 s2, $0x0  }
0x51: {  	s3 =	rddreg [dreg:$0x2];
	[bflag:$0x3] =	sbarrier.arrive $0xFFFF;
	s2 =	simm.s32 @!p0 $0x1C02  }
0x52: {  	[timem:s3], [sflag:s2] =	dma.local @!p0 [hbm:s0], s1  }
0x53: {  	s0 =	simm.s32 @!p0 $0x2  }
0x54: {  	_ =	swait.ge @!p0 [sflag:s0], s1  }
0x55: {  	s1 =	ssub.s32 @!p0 $0x0, s1;
	[sflag:s0] =	ssyncset.done @!p0 $0x0  }
0x56: {  	[sflag:s0] =	ssyncadd.s32 @!p0 s1  }
0x57: {  	[bflag:$0x3] =	sbarrier.arrive $0xFFFF  }
0x58: {  	_ =	shalt  }

// kernel: kernel.9.cloned.1.call-start
scs
__scs_entry_jumppad:
0x0: {  	(pc) =	sbr.rel $0x88, $3  }
0x1: {  	(tag) =	ssettag $0x0;
	lr =	simm.s32 $0x1  }
0x2: {  	[smem:$0x3F9C] =	sst lr;
	_ =	strace $0xD0000000  }
0x3: {  	_ = 	snop  }
0x4: {  	_ = 	snop  }
0x5: {  	_ = 	snop  }
0x6: {  	_ = 	snop  }
0x7: {  	_ = 	snop  }
__scs_overlays_trampoline_lowered:
0x8: {  	[smem:$0x3FAB] =	sst s0  }
0x9: {  	[smem:$0x3FAC] =	sst s1  }
0xa: {  	[smem:$0x3FAD] =	sst s2  }
0xb: {  	[smem:$0x3FAE] =	sst s3  }
0xc: {  	[smem:$0x3FAF] =	sst s4  }
0xd: {  	[smem:$0x3FB0] =	sst s5  }
0xe: {  	[smem:$0x3FB1] =	sst s6  }
0xf: {  	[smem:$0x3FB2] =	sst s7  }
0x10: {  	[smem:$0x3FB3] =	sst s8  }
0x11: {  	[smem:$0x3FB4] =	sst s9;
	s0 =	simm.s32 @!p0 $0x0  }
0x12: {  	s1 =	sld [smem:$0x3F9A];
	s0 =	simm.s32 @p0 $0x1  }
0x13: {  	[smem:$0x3FB5] =	sst s0;
	s0 =	simm.s32 @!p1 $0x0  }
0x14: {  	s2 =	sld [smem:$0x3F99];
	s0 =	simm.s32 @p1 $0x1  }
0x15: {  	[smem:$0x3FB6] =	sst s0;
	s0 =	simm.s32 @!p2 $0x0  }
0x16: {  	s3 =	sld [smem:$0x3FDB];
	s0 =	simm.s32 @p2 $0x1  }
0x17: {  	s4 =	simm.s32 $0x1BF5;
	[smem:$0x3FB8] =	sst s0  }
0x18: {  	s0 =	sld [smem:$0x3F9B];
	_ =	swait.ge [sflag:s4], $0x0  }
0x19: {  	s7 =	sld [smem:$0x3F9C]  }
0x1a: {  	s8 =	sadd.s32 $0xFFFFE003, lr  }
0x1b: {  	s9 =	sadd.s32 $0xFFFFFEF7, lr;
	s5 =	simm.s32 $0xFFFFFFFF;
	p2 =	slt.u32 s8, $0xFFFFF086  }
0x1c: {  	p1 =	slt.u32 s9, $0xF7A;
	s5 =	simm.s32 @!p2 $0x0  }
0x1d: {  	s5 =	simm.s32 @p1 $0x1;
	p0 =	seq.s32 s7, s2  }
0x1e: {  	s7 =	smul.u32 @!p0 $0xF7A, s2;
	p2 =	seq.s32 @!p0 s5, $0x0  }
0x1f: {  	s9 =	smul.u32 $0xF7A, s1;
	s8 =	simm.s32 @!p0 $0x1BF5;
	p2 =	por !p2, p0  }
0x20: {  	[sflag:s8] =	ssyncset.s32 @!p0 $0xFFFFF086;
	s6 =	sadd.s32 @!p0 s3, s7;
	s7 =	simm.s32 @!p0 $0x108  }
0x21: {  	s3 =	sadd.s32 s3, s9;
	s6 =	sadd.s32 @!p0 $0x88, s6;
	s7 =	simm.s32 @p2 $0x1082  }
0x22: {  	[simem:s7], [sflag:s8] =	dma.local @!p0 [hbm:s6], $0xF7A  }
0x23: {  	s9 =	sor.u32 $0xD0000000, s2;
	s6 =	simm.s32 $0x108;
	_ =	swait.ge @!p0 [sflag:s8], $0x0  }
0x24: {  	s3 =	sadd.s32 $0x88, s3;
	s6 =	simm.s32 @!p1 $0x1082;
	[sflag:s4] =	ssyncset.s32 $0xFFFFF086  }
0x25: {  	[simem:s6], [sflag:s4] =	dma.local [hbm:s3], $0xF7A  }
0x26: {  	[smem:$0x3F9C] =	sst s1;
	(tag) =	ssettag s2;
	_ =	strace s9  }
0x27: {  	s1 =	sld [smem:$0x3FAC]  }
0x28: {  	s2 =	sld [smem:$0x3FAD]  }
0x29: {  	s4 =	sld [smem:$0x3FAF]  }
0x2a: {  	p0 =	seq.s32 s5, $0x0;
	s5 =	sld [smem:$0x3FB0]  }
0x2b: {  	s6 =	sld [smem:$0x3FB1]  }
0x2c: {  	s7 =	sld [smem:$0x3FB2]  }
0x2d: {  	s3 =	simm.s32 $0x108;
	s8 =	sld [smem:$0x3FB3]  }
0x2e: {  	s3 =	simm.s32 @!p0 $0x1082;
	s9 =	sld [smem:$0x3FB4]  }
0x2f: {  	lr =	sadd.s32 s0, s3;
	s0 =	sld [smem:$0x3FAB]  }
0x30: {  	s3 =	sld [smem:$0x3FAE]  }
0x31: {  	[smem:$0x3FB7] =	sst s10  }
0x32: {  	s10 =	sld [smem:$0x3FB5];
	_ =	sdelay $0x3  }
0x33: {  	p0 =	seq.s32 s10, $0x1;
	s10 =	sld [smem:$0x3FB7];
	_ =	sdelay $0x3  }
0x34: {  	[smem:$0x3FB7] =	sst s10  }
0x35: {  	s10 =	sld [smem:$0x3FB6];
	_ =	sdelay $0x3  }
0x36: {  	p1 =	seq.s32 s10, $0x1;
	s10 =	sld [smem:$0x3FB7];
	_ =	sdelay $0x3  }
0x37: {  	[smem:$0x3FB7] =	sst s10  }
0x38: {  	s10 =	sld [smem:$0x3FB8]  }
0x39: {  	_ = 	snop;
	(pc) =	sbr.ind lr, $3  }
0x3a: {  	_ = 	snop  }
0x3b: {  	_ = 	snop  }
0x3c: {  	p2 =	seq.s32 s10, $0x1;
	s10 =	sld [smem:$0x3FB7]  }
0x3d: {  	_ =	shalt  }
0x3e: {  	_ =	shalt  }
0x3f: {  	_ =	shalt  }
0x40: {  	_ =	shalt  }
0x41: {  	_ =	shalt  }
0x42: {  	_ =	shalt  }
0x43: {  	_ =	shalt  }
0x44: {  	_ =	shalt  }
0x45: {  	_ =	shalt  }
0x46: {  	_ =	shalt  }
0x47: {  	_ =	shalt  }
0x48: {  	_ =	shalt  }
0x49: {  	_ =	shalt  }
0x4a: {  	_ =	shalt  }
0x4b: {  	_ =	shalt  }
0x4c: {  	_ =	shalt  }
0x4d: {  	_ =	shalt  }
0x4e: {  	_ =	shalt  }
0x4f: {  	_ =	shalt  }
0x50: {  	_ =	shalt  }
0x51: {  	_ =	shalt  }
0x52: {  	_ =	shalt  }
0x53: {  	_ =	shalt  }
0x54: {  	_ =	shalt  }
0x55: {  	_ =	shalt  }
0x56: {  	_ =	shalt  }
0x57: {  	_ =	shalt  }
0x58: {  	_ =	shalt  }
0x59: {  	_ =	shalt  }
0x5a: {  	_ =	shalt  }
0x5b: {  	_ =	shalt  }
0x5c: {  	_ =	shalt  }
0x5d: {  	_ =	shalt  }
0x5e: {  	_ =	shalt  }
0x5f: {  	_ =	shalt  }
0x60: {  	_ =	shalt  }
0x61: {  	_ =	shalt  }
0x62: {  	_ =	shalt  }
0x63: {  	_ =	shalt  }
0x64: {  	_ =	shalt  }
0x65: {  	_ =	shalt  }
0x66: {  	_ =	shalt  }
0x67: {  	_ =	shalt  }
0x68: {  	_ =	shalt  }
0x69: {  	_ =	shalt  }
0x6a: {  	_ =	shalt  }
0x6b: {  	_ =	shalt  }
0x6c: {  	_ =	shalt  }
0x6d: {  	_ =	shalt  }
0x6e: {  	_ =	shalt  }
0x6f: {  	_ =	shalt  }
0x70: {  	_ =	shalt  }
0x71: {  	_ =	shalt  }
0x72: {  	_ =	shalt  }
0x73: {  	_ =	shalt  }
0x74: {  	_ =	shalt  }
0x75: {  	_ =	shalt  }
0x76: {  	_ =	shalt  }
0x77: {  	_ =	shalt  }
0x78: {  	_ =	shalt  }
0x79: {  	_ =	shalt  }
0x7a: {  	_ =	shalt  }
0x7b: {  	_ =	shalt  }
0x7c: {  	_ =	shalt  }
0x7d: {  	_ =	shalt  }
0x7e: {  	_ =	shalt  }
0x7f: {  	_ =	shalt  }
0x80: {  	_ =	shalt  }
0x81: {  	_ =	shalt  }
0x82: {  	_ =	shalt  }
0x83: {  	_ =	shalt  }
0x84: {  	_ =	shalt  }
0x85: {  	_ =	shalt  }
0x86: {  	_ =	shalt  }
0x87: {  	_ =	shalt  }
.Lfunc_end0:
.L_simem_size_0:
called_computation.1_lowered:
.L_overlay_start_0:
0x88: {  	s2 =	sld [smem:$0x3FD9]  }
0x89: {  	s3 =	sld [smem:$0x3FFE];
	_ =	sdelay $0x1  }
0x8a: {  	s1 =	srdreg.scid  }
0x8b: {  	s0 =	sand.u32 $0x1, s1  }
0x8c: {  	s17 =	sshll.u32 s0, $0xA;
	s2 =	sadd.s32 s3, s2  }
0x8d: {  	s2 =	sadd.s32 s2, s17  }
0x8e: {  	[smem:$0x3FC3] =	sst s2  }
0x8f: {  	_ = 	snop  }
0x90: {  	s2 =	sld [smem:$0x3FD0];
	(tm) =	ssettm $0x1  }
0x91: {  	s18 =	sld [smem:$0x3FFB];
	_ =	sdelay $0x3  }
0x92: {  	_ =	strace s18  }
0x93: {  	s3 =	sld [smem:$0x3FFC];
	_ =	sdelay $0x3  }
0x94: {  	_ =	strace s3  }
0x95: {  	s3 =	sld [smem:$0x3FFD];
	_ =	sdelay $0x3  }
0x96: {  	_ =	strace s3  }
0x97: {  	_ =	strace $0x8FFFFFFF  }
0x98: {  	s19 =	sld [smem:$0x3FDB];
	_ =	sdelay $0x1  }
0x99: {  	s4 =	simm.s32 $_scs_section_size  }
0x9a: {  	s5 =	simm.s32 $_size__tile_overlayer_lowered;
	s6 =	simm.s32 $_tile_overlayer_lowered  }
0x9b: {  	s22 =	simm.s32 $0x1BFF;
	s21 =	sshll.u32 s6, $0x1;
	s3 =	sadd.s32 s4, s19  }
0x9c: {  	s7 =	simm.s32 $0x0;
	s20 =	sshll.u32 s5, $0x1;
	s5 =	sadd.s32 s21, s3  }
0x9d: {  	[timem:s7], [sflag:s22] =	dma.local [hbm:s5], s20  }
0x9e: {  	_ =	swait.ge [sflag:s22], s20  }
0x9f: {  	s4 =	ssub.s32 $0x0, s20;
	[sflag:s22] =	ssyncset.done $0x0  }
0xa0: {  	[sflag:s22] =	ssyncadd.s32 s4;
	_ =	sdelay $0x1  }
0xa1: {  	s23 =	simm.s32 $0x1B8B  }
0xa2: {  	_ =	swait.ge [sflag:s23], $0x1  }
0xa3: {  	[sflag:s23] =	ssyncset.done $0x0  }
0xa4: {  	s25 =	simm.s32 $0x1B8E;
	s24 =	sld [smem:$0x3FFE];
	[sflag:s23] =	ssyncadd.s32 $0xFFFFFFFF  }
0xa5: {  	s26 =	simm.s32 $execute0_lowered;
	[smem:$0x3FD2] =	sst s25  }
0xa6: {  	s5 =	sshll.u32 s26, $0x1;
	_ =	strace $0x80000049;
	[dreg:$0x1] =	wrdreg $0xFFFFFFFF  }
0xa7: {  	s28 =	simm.s32 $_size_execute0_lowered;
	s3 =	sadd.s32 s3, s5;
	[dreg:$0x0] =	wrdreg $0x0  }
0xa8: {  	s5 =	sshll.u32 s28, $0x1;
	[dreg:$0x2] =	wrdreg s3  }
0xa9: {  	[dreg:$0x3] =	wrdreg s5  }
0xaa: {  	[dreg:$0x4] =	wrdreg $0xC0  }
0xab: {  	_ =	task [dreg:s7], $0x5FFFF  }
0xac: {  	[dreg:$0x1] =	wrdreg $0xFFFFFFFF  }
0xad: {  	[dreg:$0x0] =	wrdreg $0x60  }
0xae: {  	[dreg:$0x2] =	wrdreg s24  }
0xaf: {  	[dreg:$0x3] =	wrdreg s2  }
0xb0: {  	[dreg:$0x4] =	wrdreg $0x74000  }
0xb1: {  	[dreg:$0x5] =	wrdreg $0x9  }
0xb2: {  	_ =	task.clear_ibuf [dreg:s7], $0x6FFFF;
	_ =	strace $0x90000049  }
0xb3: {  	s29 =	simm.s32 $0x9;
	_ =	strace $0x8000004B  }
0xb4: {  	_ =	swait.ge [sflag:s29], $0x1  }
0xb5: {  	[sflag:s29] =	ssyncadd.s32 $0xFFFFFFFF  }
0xb6: {  	_ =	strace $0x9000004B  }
0xb7: {  	_ =	sfence  }
0xb8: {  	s30 =	sld [smem:$0x0];
	_ =	sdelay $0x2  }
0xb9: {  	s31 =	sshll.u32 s1, $0xD;
	s1 =	sshrl.u32 s1, $0x2  }
0xba: {  	s3 =	sand.u32 $0x4000, s31;
	s1 =	sadd.s32 s1, s30  }
0xbb: {  	s0 =	sor.u32 s3, s0;
	s1 =	sshll.u32 s1, $0x11  }
0xbc: {  	s0 =	sor.u32 s1, s0  }
0xbd: {  	s0 =	sadd.s32 $0x8F2B, s0  }
0xbe: {  	[sflag:s0] =	ssyncadd.remote.s32 $0x1  }
0xbf: {  	_ =	sfence.sel $0xFFFF  }
0xc0: {  	[dreg:$0x0] =	wrdreg $0xFFFFFFFF;
	(pc) =	sbr.abs _section_cstart, $3  }
0xc1: {  	[dreg:$0x1] =	wrdreg $0xFFFFFFFF  }
0xc2: {  	_ =	task.clear_ibuf [dreg:s7], $0x2FFFF;
	_ =	strace $0x9FFFFFFF  }
0xc3: {  	(tm) =	ssettm $0x7FFFFFFF  }
tec
execute0_lowered:
.L_overlay_start_1:
0x0: {  	(tag) =	ssettag $0x1  }
0x1: {  	s0 =	rddreg [dreg:$0x0]  }
0x2: {  	s2 =	rddreg [dreg:$0x1]  }
0x3: {  	s3 =	rddreg [dreg:$0x2]  }
0x4: {  	s11 =	stileid.u32;
	s1 =	srdreg.scid;
	s4 =	simm.s32 $0x0  }
0x5: {  	s25 =	simm.s32 $0x80;
	s26 =	simm.s32 $0x100;
	s13 =	simm.s32 $0x9  }
0x6: {  	s14 =	simm.s32 $0x480;
	s28 =	simm.s32 $0x6;
	s29 =	simm.s32 $0x7  }
0x7: {  	s30 =	simm.s32 $0x8;
	s31 =	simm.s32 $0x2;
	s6 =	smul.u32 $0x14000, s11  }
0x8: {  	s1 =	sand.u32 $0x1, s1;
	[smem:$0x7FF] =	sst s4;
	s9 =	smul.u32 $0x50000, s11  }
0x9: {  	s5 =	sadd.s32 $0x2400, s0;
	s18 =	smul.u32 $0x19000, s11;
	s19 =	sshll.u32 s11, $0x6  }
0xa: {  	s7 =	smul.u32 $0x140000, s1;
	_ =	strace $0x8000004A;
	[dreg:$0x5] =	wrdreg s25  }
0xb: {  	s16 =	sshll.u32 s1, $0x4;
	s17 =	ssub.s32 $0x2, s1;
	[dreg:$0x6] =	wrdreg s26  }
0xc: {  	s1 =	smul.u32 $0x190000, s1;
	[dreg:$0x9] =	wrdreg s14;
	s25 =	simm.s32 $0xD80  }
0xd: {  	s26 =	simm.s32 $0xE00;
	s8 =	sshrl.u32 s6, $0x3;
	[dreg:$0x13] =	wrdreg s25  }
0xe: {  	s10 =	sshrl.u32 s17, $0x1;
	s9 =	sshrl.u32 s9, $0x2;
	[dreg:$0x14] =	wrdreg s26  }
0xf: {  	s25 =	simm.s32 $0x4;
	s26 =	simm.s32 $0x5;
	s8 =	sadd.s32 s8, s0  }
0x10: {  	s6 =	sadd.s32 s6, s7;
	s7 =	sor.u32 s11, s16;
	s9 =	sadd.s32 s9, s3  }
0x11: {  	s1 =	sadd.s32 s18, s1;
	s16 =	simm.s32 $0x500;
	s18 =	simm.s32 $0x600  }
0x12: {  	s6 =	sshrl.u32 s6, $0x3;
	s7 =	smul.u32 $0x19000, s7;
	s8 =	sadd.s32 $0x66400, s8  }
0x13: {  	s23 =	sadd.s32 $0x1000, s1;
	s24 =	sor.u32 $0x800, s1;
	[dreg:$0xa] =	wrdreg s16  }
0x14: {  	s12 =	sshrl.u32 s9, $0x3;
	s16 =	simm.s32 $0x1;
	[dreg:$0xc] =	wrdreg s18  }
0x15: {  	s18 =	simm.s32 $0xC00;
	s0 =	sadd.s32 s6, s0;
	[dreg:$0x15] =	wrdreg s8  }
0x16: {  	s6 =	ssub.s32 s17, s10;
	[dreg:$0x4] =	wrdreg s23;
	s10 =	simm.s32 $0x200  }
0x17: {  	s1 =	simm.s32 $0x0;
	s17 =	simm.s32 $0x580;
	[dreg:$0x8] =	wrdreg s10  }
0x18: {  	s23 =	simm.s32 $0xC80;
	s20 =	sshrl.u32 s7, $0x3;
	[dreg:$0xb] =	wrdreg s17  }
0x19: {  	s7 =	sor.u32 $0x1C09, s19;
	s0 =	sadd.s32 $0x8E400, s0;
	[dreg:$0x11] =	wrdreg s23  }
0x1a: {  	s22 =	smax.u32 s6, $0x1;
	s6 =	simm.s32 $0x180;
	[dreg:$0x17] =	wrdreg s0  }
0x1b: {  	s17 =	simm.s32 $0x800;
	s19 =	simm.s32 $0x880;
	[dreg:$0x18] =	wrdreg s22  }
0x1c: {  	s23 =	simm.s32 $0x4C00;
	s21 =	sadd.s32 s5, s20;
	[dreg:$0x7] =	wrdreg s6  }
0x1d: {  	s0 =	sshrl.u32 s24, $0x3;
	[dreg:$0xd] =	wrdreg s19;
	s20 =	simm.s32 $0x900  }
0x1e: {  	s19 =	simm.s32 $0x28;
	s22 =	simm.s32 $0xA00;
	[dreg:$0x16] =	wrdreg s21  }
0x1f: {  	s24 =	simm.s32 $0xD00;
	s11 =	sadd.s32 s0, s5;
	[dreg:$0xe] =	wrdreg s20  }
0x20: {  	s15 =	sadd.s32 $0x80, s21;
	s21 =	simm.s32 $0x980;
	[dreg:$0x10] =	wrdreg s22  }
0x21: {  	s20 =	simm.s32 $0x1000;
	s22 =	simm.s32 $0x3800;
	[dreg:$0x12] =	wrdreg s24  }
0x22: {  	s24 =	simm.s32 $0x6000;
	s0 =	simm.s32 $0x3;
	[dreg:$0x19] =	wrdreg s15  }
0x23: {  	s15 =	simm.s32 $0x400;
	[dreg:$0xf] =	wrdreg s21;
	s21 =	simm.s32 $0x2400  }
.LBB2_1:
0x24: {  	s6 =	rddreg [dreg:$0x15]  }
0x25: {  	[spmem:s12], [sflag:s7] =	dma.local [hbm:s6], $0x2800  }
0x26: {  	_ =	swait.ge [sflag:s13], $0x2800  }
0x27: {  	[sflag:s13] =	ssyncset.done $0x0  }
0x28: {  	s14 =	rddreg [dreg:$0x16];
	[sflag:s13] =	ssyncadd.s32 $0xFFFFD800  }
0x29: {  	[tilespmem:s4], [sflag:$0x1] =	stream.linear.gather [hbm4b:s14+s4], $0x280, $0x38;
	[tilespmem:$0x1B400] =	vst v63  }
0x2a: {  	s8 =	rddreg [dreg:$0x19]  }
0x2b: {  	[tilespmem:s15], [sflag:$0x1] =	stream.linear.gather [hbm4b:s8+s4], $0x280, $0x38;
	[tilespmem:$0x1B400] =	vst v63  }
0x2c: {  	[bflag:$0x0] =	sbarrier.arrive $0xFFFF  }
0x2d: {  	_ =	swait.ge [sflag:s16], $0x500  }
0x2e: {  	p0 =	por $0x1, $0x1;
	[sflag:s16] =	ssyncset.done $0x0  }
0x2f: {  	s6 =	simm.s32 @!p0 $0x3;
	[sflag:s16] =	ssyncadd.s32 $0xFFFFFB00  }
0x30: {  	_ =	swait.ge @!p0 [sflag:s6], $0x1400  }
0x31: {  	[sflag:s6] =	ssyncset.done @!p0 $0x0  }
0x32: {  	[sflag:s6] =	ssyncadd.s32 @!p0 $0xFFFFEC00  }
0x33: {  	_ =	swait.ge @!p0 [sflag:s6], $0x1400  }
0x34: {  	[sflag:s6] =	ssyncset.done @!p0 $0x0  }
0x35: {  	[sflag:s6] =	ssyncadd.s32 @!p0 $0xFFFFEC00  }
0x36: {  	_ =	swait.ge @!p0 [sflag:s6], $0x1400  }
0x37: {  	[sflag:s6] =	ssyncset.done @!p0 $0x0  }
0x38: {  	[sflag:s6] =	ssyncadd.s32 @!p0 $0xFFFFEC00  }
0x39: {  	_ =	swait.ge @!p0 [sflag:s6], $0x1400  }
0x3a: {  	[sflag:s6] =	ssyncset.done @!p0 $0x0  }
0x3b: {  	[sflag:s6] =	ssyncadd.s32 @!p0 $0xFFFFEC00  }
0x3c: {  	_ =	swait.ge @!p0 [sflag:s6], $0x1400  }
0x3d: {  	[sflag:s6] =	ssyncset.done @!p0 $0x0  }
0x3e: {  	[sflag:s6] =	ssyncadd.s32 @!p0 $0xFFFFEC00  }
0x3f: {  	[tilespmem:s17], [sflag:$0x2] =	stream.linear.gather [hbm4b:s11+s4], $0x280, $0x38;
	[tilespmem:$0x1B400] =	vst v63  }
0x40: {  	s9 =	sadd.s32 $0x80, s11  }
0x41: {  	[tilespmem:s18], [sflag:$0x2] =	stream.linear.gather [hbm4b:s9+s4], $0x280, $0x38;
	[tilespmem:$0x1B400] =	vst v63  }
0x42: {  	_ = 	snop  }
0x43: {  	[tilespmem:s20], [sflag:$0x4] =	stream.indirect.gather [hbm4b:s2+s19], $0x80, s4, s19, $0xb8;
	[tilespmem:$0x1B400] =	vst v63  }
0x44: {  	s10 =	rddreg [dreg:$0x5]  }
0x45: {  	[tilespmem:s21], [sflag:$0x5] =	stream.indirect.gather [hbm4b:s2+s19], $0x80, s10, s19, $0xb8;
	[tilespmem:$0x1B400] =	vst v63  }
0x46: {  	s9 =	rddreg [dreg:$0x6]  }
0x47: {  	[tilespmem:s22], [sflag:$0x6] =	stream.indirect.gather [hbm4b:s2+s19], $0x80, s9, s19, $0xb8;
	[tilespmem:$0x1B400] =	vst v63  }
0x48: {  	s14 =	rddreg [dreg:$0x7]  }
0x49: {  	[tilespmem:s23], [sflag:$0x7] =	stream.indirect.gather [hbm4b:s2+s19], $0x80, s14, s19, $0xb8;
	[tilespmem:$0x1B400] =	vst v63  }
0x4a: {  	s8 =	rddreg [dreg:$0x8]  }
0x4b: {  	[tilespmem:s24], [sflag:$0x8] =	stream.indirect.gather [hbm4b:s2+s19], $0x80, s8, s19, $0xb8;
	[tilespmem:$0x1B400] =	vst v63  }
0x4c: {  	_ =	swait.ge [sflag:s25], $0x1400  }
0x4d: {  	[sflag:s25] =	ssyncset.done $0x0  }
0x4e: {  	[sflag:s25] =	ssyncadd.s32 $0xFFFFEC00  }
0x4f: {  	[spmem:s3] =	stream.indirect.scatter.add.f32 [tilespmem:s20], [sflag:$0x3], $0x80, s15, s19, $0xb8;
	[tilespmem:$0x1B400] =	vst v63  }
0x50: {  	_ =	swait.ge [sflag:s26], $0x1400  }
0x51: {  	[sflag:s26] =	ssyncset.done $0x0  }
0x52: {  	s9 =	rddreg [dreg:$0x9];
	[sflag:s26] =	ssyncadd.s32 $0xFFFFEC00  }
0x53: {  	[spmem:s3] =	stream.indirect.scatter.add.f32 [tilespmem:s21], [sflag:$0x3], $0x80, s9, s19, $0xb8;
	[tilespmem:$0x1B400] =	vst v63  }
0x54: {  	_ =	swait.ge [sflag:s28], $0x1400  }
0x55: {  	[sflag:s28] =	ssyncset.done $0x0  }
0x56: {  	s10 =	rddreg [dreg:$0xa];
	[sflag:s28] =	ssyncadd.s32 $0xFFFFEC00  }
0x57: {  	[spmem:s3] =	stream.indirect.scatter.add.f32 [tilespmem:s22], [sflag:$0x3], $0x80, s10, s19, $0xb8;
	[tilespmem:$0x1B400] =	vst v63  }
0x58: {  	_ =	swait.ge [sflag:s29], $0x1400  }
0x59: {  	[sflag:s29] =	ssyncset.done $0x0  }
0x5a: {  	s14 =	rddreg [dreg:$0xb];
	[sflag:s29] =	ssyncadd.s32 $0xFFFFEC00  }
0x5b: {  	[spmem:s3] =	stream.indirect.scatter.add.f32 [tilespmem:s23], [sflag:$0x3], $0x80, s14, s19, $0xb8;
	[tilespmem:$0x1B400] =	vst v63  }
0x5c: {  	_ =	swait.ge [sflag:s30], $0x1400  }
0x5d: {  	[sflag:s30] =	ssyncset.done $0x0  }
0x5e: {  	s8 =	rddreg [dreg:$0xc];
	[sflag:s30] =	ssyncadd.s32 $0xFFFFEC00  }
0x5f: {  	[spmem:s3] =	stream.indirect.scatter.add.f32 [tilespmem:s24], [sflag:$0x3], $0x80, s8, s19, $0xb8;
	[tilespmem:$0x1B400] =	vst v63  }
0x60: {  	_ =	swait.ge [sflag:s31], $0x500  }
0x61: {  	[sflag:s31] =	ssyncset.done $0x0  }
0x62: {  	[sflag:s31] =	ssyncadd.s32 $0xFFFFFB00  }
0x63: {  	_ =	swait.ge [sflag:s0], $0x1400  }
0x64: {  	[sflag:s0] =	ssyncset.done $0x0  }
0x65: {  	[sflag:s0] =	ssyncadd.s32 $0xFFFFEC00  }
0x66: {  	_ =	swait.ge [sflag:s0], $0x1400  }
0x67: {  	[sflag:s0] =	ssyncset.done $0x0  }
0x68: {  	[sflag:s0] =	ssyncadd.s32 $0xFFFFEC00  }
0x69: {  	_ =	swait.ge [sflag:s0], $0x1400  }
0x6a: {  	[sflag:s0] =	ssyncset.done $0x0  }
0x6b: {  	[sflag:s0] =	ssyncadd.s32 $0xFFFFEC00  }
0x6c: {  	_ =	swait.ge [sflag:s0], $0x1400  }
0x6d: {  	[sflag:s0] =	ssyncset.done $0x0  }
0x6e: {  	[sflag:s0] =	ssyncadd.s32 $0xFFFFEC00  }
0x6f: {  	_ =	swait.ge [sflag:s0], $0x1400  }
0x70: {  	p0 =	por $0x0, $0x0;
	s6 =	rddreg [dreg:$0x4]  }
0x71: {  	s6 =	sadd.s32 @!p0 $0x0, s6  }
0x72: {  	[sflag:s0] =	ssyncset.done $0x0;
	s6 =	sshrl.u32 @!p0 s6, $0x3  }
0x73: {  	s9 =	simm.s32 @!p0 $0x0;
	[sflag:s0] =	ssyncadd.s32 $0xFFFFEC00;
	s6 =	sadd.s32 @!p0 s5, s6  }
0x74: {  	[tilespmem:s9], [sflag:$0x1] =	stream.linear.gather @!p0 [hbm4b:s6+s9], $0x280, $0x38;
	[tilespmem:$0x1B400] =	vst v63  }
0x75: {  	s10 =	simm.s32 @!p0 $0x400;
	s6 =	sadd.s32 @!p0 $0x80, s6  }
0x76: {  	[tilespmem:s10], [sflag:$0x1] =	stream.linear.gather @!p0 [hbm4b:s6+s9], $0x280, $0x38;
	[tilespmem:$0x1B400] =	vst v63  }
0x77: {  	_ = 	snop  }
0x78: {  	[tilespmem:s20], [sflag:$0x4] =	stream.indirect.gather [hbm4b:s2+s19], $0x80, s17, s19, $0xb8;
	[tilespmem:$0x1B400] =	vst v63  }
0x79: {  	s9 =	rddreg [dreg:$0xd]  }
0x7a: {  	[tilespmem:s21], [sflag:$0x5] =	stream.indirect.gather [hbm4b:s2+s19], $0x80, s9, s19, $0xb8;
	[tilespmem:$0x1B400] =	vst v63  }
0x7b: {  	s10 =	rddreg [dreg:$0xe]  }
0x7c: {  	[tilespmem:s22], [sflag:$0x6] =	stream.indirect.gather [hbm4b:s2+s19], $0x80, s10, s19, $0xb8;
	[tilespmem:$0x1B400] =	vst v63  }
0x7d: {  	s14 =	rddreg [dreg:$0xf]  }
0x7e: {  	[tilespmem:s23], [sflag:$0x7] =	stream.indirect.gather [hbm4b:s2+s19], $0x80, s14, s19, $0xb8;
	[tilespmem:$0x1B400] =	vst v63  }
0x7f: {  	s8 =	rddreg [dreg:$0x10]  }
0x80: {  	[tilespmem:s24], [sflag:$0x8] =	stream.indirect.gather [hbm4b:s2+s19], $0x80, s8, s19, $0xb8;
	[tilespmem:$0x1B400] =	vst v63  }
0x81: {  	_ =	swait.ge [sflag:s25], $0x1400  }
0x82: {  	[sflag:s25] =	ssyncset.done $0x0  }
0x83: {  	[sflag:s25] =	ssyncadd.s32 $0xFFFFEC00  }
0x84: {  	[spmem:s3] =	stream.indirect.scatter.add.f32 [tilespmem:s20], [sflag:$0x3], $0x80, s18, s19, $0xb8;
	[tilespmem:$0x1B400] =	vst v63  }
0x85: {  	_ =	swait.ge [sflag:s26], $0x1400  }
0x86: {  	[sflag:s26] =	ssyncset.done $0x0  }
0x87: {  	s9 =	rddreg [dreg:$0x11];
	[sflag:s26] =	ssyncadd.s32 $0xFFFFEC00  }
0x88: {  	[spmem:s3] =	stream.indirect.scatter.add.f32 [tilespmem:s21], [sflag:$0x3], $0x80, s9, s19, $0xb8;
	[tilespmem:$0x1B400] =	vst v63  }
0x89: {  	_ =	swait.ge [sflag:s28], $0x1400  }
0x8a: {  	[sflag:s28] =	ssyncset.done $0x0  }
0x8b: {  	s10 =	rddreg [dreg:$0x12];
	[sflag:s28] =	ssyncadd.s32 $0xFFFFEC00  }
0x8c: {  	[spmem:s3] =	stream.indirect.scatter.add.f32 [tilespmem:s22], [sflag:$0x3], $0x80, s10, s19, $0xb8;
	[tilespmem:$0x1B400] =	vst v63  }
0x8d: {  	_ =	swait.ge [sflag:s29], $0x1400  }
0x8e: {  	[sflag:s29] =	ssyncset.done $0x0  }
0x8f: {  	s14 =	rddreg [dreg:$0x13];
	[sflag:s29] =	ssyncadd.s32 $0xFFFFEC00  }
0x90: {  	[spmem:s3] =	stream.indirect.scatter.add.f32 [tilespmem:s23], [sflag:$0x3], $0x80, s14, s19, $0xb8;
	[tilespmem:$0x1B400] =	vst v63  }
0x91: {  	_ =	swait.ge [sflag:s30], $0x1400  }
0x92: {  	s6 =	simm.s32 $0x1000;
	[sflag:s30] =	ssyncset.done $0x0  }
0x93: {  	s9 =	sadd.s32 $0x200, s11;
	s10 =	rddreg [dreg:$0x14];
	[sflag:s30] =	ssyncadd.s32 $0xFFFFEC00  }
.LBB2_2:
0x94: {  	[spmem:s3] =	stream.indirect.scatter.add.f32 [tilespmem:s24], [sflag:$0x3], $0x80, s10, s19, $0xb8;
	[tilespmem:$0x1B400] =	vst v63  }
0x95: {  	s10 =	smov.u32 s6;
	_ =	swait.ge [sflag:s16], $0x500  }
0x96: {  	p1 =	seq.s32 s10, $0x0;
	[sflag:s16] =	ssyncset.done $0x0  }
0x97: {  	s8 =	simm.s32 @!p1 $0x3;
	[sflag:s16] =	ssyncadd.s32 $0xFFFFFB00  }
0x98: {  	_ =	swait.ge @!p1 [sflag:s8], $0x1400  }
0x99: {  	[sflag:s8] =	ssyncset.done @!p1 $0x0  }
0x9a: {  	[sflag:s8] =	ssyncadd.s32 @!p1 $0xFFFFEC00  }
0x9b: {  	_ =	swait.ge @!p1 [sflag:s8], $0x1400  }
0x9c: {  	[sflag:s8] =	ssyncset.done @!p1 $0x0  }
0x9d: {  	[sflag:s8] =	ssyncadd.s32 @!p1 $0xFFFFEC00  }
0x9e: {  	_ =	swait.ge @!p1 [sflag:s8], $0x1400  }
0x9f: {  	[sflag:s8] =	ssyncset.done @!p1 $0x0  }
0xa0: {  	[sflag:s8] =	ssyncadd.s32 @!p1 $0xFFFFEC00  }
0xa1: {  	_ =	swait.ge @!p1 [sflag:s8], $0x1400  }
0xa2: {  	[sflag:s8] =	ssyncset.done @!p1 $0x0  }
0xa3: {  	[sflag:s8] =	ssyncadd.s32 @!p1 $0xFFFFEC00  }
0xa4: {  	_ =	swait.ge @!p1 [sflag:s8], $0x1400  }
0xa5: {  	[sflag:s8] =	ssyncset.done @!p1 $0x0  }
0xa6: {  	[sflag:s8] =	ssyncadd.s32 @!p1 $0xFFFFEC00  }
0xa7: {  	[tilespmem:s17], [sflag:$0x2] =	stream.linear.gather [hbm4b:s9+s4], $0x280, $0x38;
	[tilespmem:$0x1B400] =	vst v63  }
0xa8: {  	s14 =	sadd.s32 $0x80, s9  }
0xa9: {  	[tilespmem:s18], [sflag:$0x2] =	stream.linear.gather [hbm4b:s14+s4], $0x280, $0x38;
	[tilespmem:$0x1B400] =	vst v63  }
0xaa: {  	_ = 	snop  }
0xab: {  	[tilespmem:s20], [sflag:$0x4] =	stream.indirect.gather [hbm4b:s2+s19], $0x80, s4, s19, $0xb8;
	[tilespmem:$0x1B400] =	vst v63  }
0xac: {  	s8 =	rddreg [dreg:$0x5]  }
0xad: {  	[tilespmem:s21], [sflag:$0x5] =	stream.indirect.gather [hbm4b:s2+s19], $0x80, s8, s19, $0xb8;
	[tilespmem:$0x1B400] =	vst v63  }
0xae: {  	s14 =	rddreg [dreg:$0x6]  }
0xaf: {  	[tilespmem:s22], [sflag:$0x6] =	stream.indirect.gather [hbm4b:s2+s19], $0x80, s14, s19, $0xb8;
	[tilespmem:$0x1B400] =	vst v63  }
0xb0: {  	s8 =	rddreg [dreg:$0x7]  }
0xb1: {  	[tilespmem:s23], [sflag:$0x7] =	stream.indirect.gather [hbm4b:s2+s19], $0x80, s8, s19, $0xb8;
	[tilespmem:$0x1B400] =	vst v63  }
0xb2: {  	s14 =	rddreg [dreg:$0x8]  }
0xb3: {  	[tilespmem:s24], [sflag:$0x8] =	stream.indirect.gather [hbm4b:s2+s19], $0x80, s14, s19, $0xb8;
	[tilespmem:$0x1B400] =	vst v63  }
0xb4: {  	_ =	swait.ge [sflag:s25], $0x1400  }
0xb5: {  	[sflag:s25] =	ssyncset.done $0x0  }
0xb6: {  	[sflag:s25] =	ssyncadd.s32 $0xFFFFEC00  }
0xb7: {  	[spmem:s3] =	stream.indirect.scatter.add.f32 [tilespmem:s20], [sflag:$0x3], $0x80, s15, s19, $0xb8;
	[tilespmem:$0x1B400] =	vst v63  }
0xb8: {  	_ =	swait.ge [sflag:s26], $0x1400  }
0xb9: {  	[sflag:s26] =	ssyncset.done $0x0  }
0xba: {  	s14 =	rddreg [dreg:$0x9];
	[sflag:s26] =	ssyncadd.s32 $0xFFFFEC00  }
0xbb: {  	[spmem:s3] =	stream.indirect.scatter.add.f32 [tilespmem:s21], [sflag:$0x3], $0x80, s14, s19, $0xb8;
	[tilespmem:$0x1B400] =	vst v63  }
0xbc: {  	_ =	swait.ge [sflag:s28], $0x1400  }
0xbd: {  	[sflag:s28] =	ssyncset.done $0x0  }
0xbe: {  	s14 =	rddreg [dreg:$0xa];
	[sflag:s28] =	ssyncadd.s32 $0xFFFFEC00  }
0xbf: {  	[spmem:s3] =	stream.indirect.scatter.add.f32 [tilespmem:s22], [sflag:$0x3], $0x80, s14, s19, $0xb8;
	[tilespmem:$0x1B400] =	vst v63  }
0xc0: {  	_ =	swait.ge [sflag:s29], $0x1400  }
0xc1: {  	[sflag:s29] =	ssyncset.done $0x0  }
0xc2: {  	s14 =	rddreg [dreg:$0xb];
	[sflag:s29] =	ssyncadd.s32 $0xFFFFEC00  }
0xc3: {  	[spmem:s3] =	stream.indirect.scatter.add.f32 [tilespmem:s23], [sflag:$0x3], $0x80, s14, s19, $0xb8;
	[tilespmem:$0x1B400] =	vst v63  }
0xc4: {  	_ =	swait.ge [sflag:s30], $0x1400  }
0xc5: {  	[sflag:s30] =	ssyncset.done $0x0  }
0xc6: {  	s14 =	rddreg [dreg:$0xc];
	[sflag:s30] =	ssyncadd.s32 $0xFFFFEC00  }
0xc7: {  	[spmem:s3] =	stream.indirect.scatter.add.f32 [tilespmem:s24], [sflag:$0x3], $0x80, s14, s19, $0xb8;
	[tilespmem:$0x1B400] =	vst v63  }
0xc8: {  	_ =	swait.ge [sflag:s31], $0x500  }
0xc9: {  	[sflag:s31] =	ssyncset.done $0x0  }
0xca: {  	[sflag:s31] =	ssyncadd.s32 $0xFFFFFB00  }
0xcb: {  	_ =	swait.ge [sflag:s0], $0x1400  }
0xcc: {  	[sflag:s0] =	ssyncset.done $0x0  }
0xcd: {  	[sflag:s0] =	ssyncadd.s32 $0xFFFFEC00  }
0xce: {  	_ =	swait.ge [sflag:s0], $0x1400  }
0xcf: {  	[sflag:s0] =	ssyncset.done $0x0  }
0xd0: {  	[sflag:s0] =	ssyncadd.s32 $0xFFFFEC00  }
0xd1: {  	_ =	swait.ge [sflag:s0], $0x1400  }
0xd2: {  	[sflag:s0] =	ssyncset.done $0x0  }
0xd3: {  	[sflag:s0] =	ssyncadd.s32 $0xFFFFEC00  }
0xd4: {  	_ =	swait.ge [sflag:s0], $0x1400  }
0xd5: {  	[sflag:s0] =	ssyncset.done $0x0  }
0xd6: {  	[sflag:s0] =	ssyncadd.s32 $0xFFFFEC00  }
0xd7: {  	_ =	swait.ge [sflag:s0], $0x1400  }
0xd8: {  	p1 =	seq.s32 s10, $0x18000;
	s8 =	rddreg [dreg:$0x4]  }
0xd9: {  	s8 =	sadd.s32 @!p1 s10, s8  }
0xda: {  	[sflag:s0] =	ssyncset.done $0x0;
	s8 =	sshrl.u32 @!p1 s8, $0x3  }
0xdb: {  	[sflag:s0] =	ssyncadd.s32 $0xFFFFEC00;
	s10 =	simm.s32 @!p1 $0x0;
	s8 =	sadd.s32 @!p1 s5, s8  }
0xdc: {  	[tilespmem:s10], [sflag:$0x1] =	stream.linear.gather @!p1 [hbm4b:s8+s10], $0x280, $0x38;
	[tilespmem:$0x1B400] =	vst v63  }
0xdd: {  	s14 =	simm.s32 @!p1 $0x400;
	s8 =	sadd.s32 @!p1 $0x80, s8  }
0xde: {  	[tilespmem:s14], [sflag:$0x1] =	stream.linear.gather @!p1 [hbm4b:s8+s10], $0x280, $0x38;
	[tilespmem:$0x1B400] =	vst v63  }
0xdf: {  	_ = 	snop  }
0xe0: {  	[tilespmem:s20], [sflag:$0x4] =	stream.indirect.gather [hbm4b:s2+s19], $0x80, s17, s19, $0xb8;
	[tilespmem:$0x1B400] =	vst v63  }
0xe1: {  	s10 =	rddreg [dreg:$0xd]  }
0xe2: {  	[tilespmem:s21], [sflag:$0x5] =	stream.indirect.gather [hbm4b:s2+s19], $0x80, s10, s19, $0xb8;
	[tilespmem:$0x1B400] =	vst v63  }
0xe3: {  	s14 =	rddreg [dreg:$0xe]  }
0xe4: {  	[tilespmem:s22], [sflag:$0x6] =	stream.indirect.gather [hbm4b:s2+s19], $0x80, s14, s19, $0xb8;
	[tilespmem:$0x1B400] =	vst v63  }
0xe5: {  	s8 =	rddreg [dreg:$0xf]  }
0xe6: {  	[tilespmem:s23], [sflag:$0x7] =	stream.indirect.gather [hbm4b:s2+s19], $0x80, s8, s19, $0xb8;
	[tilespmem:$0x1B400] =	vst v63  }
0xe7: {  	s14 =	rddreg [dreg:$0x10]  }
0xe8: {  	[tilespmem:s24], [sflag:$0x8] =	stream.indirect.gather [hbm4b:s2+s19], $0x80, s14, s19, $0xb8;
	[tilespmem:$0x1B400] =	vst v63  }
0xe9: {  	_ =	swait.ge [sflag:s25], $0x1400  }
0xea: {  	[sflag:s25] =	ssyncset.done $0x0  }
0xeb: {  	[sflag:s25] =	ssyncadd.s32 $0xFFFFEC00  }
0xec: {  	[spmem:s3] =	stream.indirect.scatter.add.f32 [tilespmem:s20], [sflag:$0x3], $0x80, s18, s19, $0xb8;
	[tilespmem:$0x1B400] =	vst v63  }
0xed: {  	_ =	swait.ge [sflag:s26], $0x1400  }
0xee: {  	[sflag:s26] =	ssyncset.done $0x0  }
0xef: {  	s14 =	rddreg [dreg:$0x11];
	[sflag:s26] =	ssyncadd.s32 $0xFFFFEC00  }
0xf0: {  	[spmem:s3] =	stream.indirect.scatter.add.f32 [tilespmem:s21], [sflag:$0x3], $0x80, s14, s19, $0xb8;
	[tilespmem:$0x1B400] =	vst v63  }
0xf1: {  	_ =	swait.ge [sflag:s28], $0x1400  }
0xf2: {  	[sflag:s28] =	ssyncset.done $0x0  }
0xf3: {  	s10 =	rddreg [dreg:$0x12];
	[sflag:s28] =	ssyncadd.s32 $0xFFFFEC00  }
0xf4: {  	[spmem:s3] =	stream.indirect.scatter.add.f32 [tilespmem:s22], [sflag:$0x3], $0x80, s10, s19, $0xb8;
	[tilespmem:$0x1B400] =	vst v63  }
0xf5: {  	s6 =	sadd.s32 $0x1000, s6;
	_ =	swait.ge [sflag:s29], $0x1400  }
0xf6: {  	p0 =	sne.s32 s6, $0x19000;
	[sflag:s29] =	ssyncset.done $0x0  }
.Ltmp0:
0xf7: {  	s14 =	rddreg [dreg:$0x13];
	[sflag:s29] =	ssyncadd.s32 $0xFFFFEC00;
	(pc) =	sbr.rel @p0 .LBB2_2-.Ltmp0, $4  }
0xf8: {  	[spmem:s3] =	stream.indirect.scatter.add.f32 [tilespmem:s23], [sflag:$0x3], $0x80, s14, s19, $0xb8;
	[tilespmem:$0x1B400] =	vst v63  }
0xf9: {  	_ =	swait.ge [sflag:s30], $0x1400  }
0xfa: {  	[sflag:s30] =	ssyncset.done $0x0  }
0xfb: {  	s9 =	sadd.s32 $0x200, s9;
	s10 =	rddreg [dreg:$0x14];
	[sflag:s30] =	ssyncadd.s32 $0xFFFFEC00  }
0xfc: {  	[spmem:s3] =	stream.indirect.scatter.add.f32 [tilespmem:s24], [sflag:$0x3], $0x80, s10, s19, $0xb8;
	[tilespmem:$0x1B400] =	vst v63  }
0xfd: {  	_ =	swait.ge [sflag:s0], $0x1400  }
0xfe: {  	[sflag:s0] =	ssyncset.done $0x0  }
0xff: {  	[sflag:s0] =	ssyncadd.s32 $0xFFFFEC00  }
0x100: {  	_ =	swait.ge [sflag:s0], $0x1400  }
0x101: {  	[sflag:s0] =	ssyncset.done $0x0  }
0x102: {  	[sflag:s0] =	ssyncadd.s32 $0xFFFFEC00  }
0x103: {  	_ =	swait.ge [sflag:s0], $0x1400  }
0x104: {  	[sflag:s0] =	ssyncset.done $0x0  }
0x105: {  	[sflag:s0] =	ssyncadd.s32 $0xFFFFEC00  }
0x106: {  	_ =	swait.ge [sflag:s0], $0x1400  }
0x107: {  	[sflag:s0] =	ssyncset.done $0x0  }
0x108: {  	[sflag:s0] =	ssyncadd.s32 $0xFFFFEC00  }
0x109: {  	_ =	swait.ge [sflag:s0], $0x1400  }
0x10a: {  	[sflag:s0] =	ssyncset.done $0x0  }
0x10b: {  	[sflag:s0] =	ssyncadd.s32 $0xFFFFEC00  }
0x10c: {  	[bflag:$0x0] =	sbarrier.arrive $0xFFFF  }
0x10d: {  	s6 =	rddreg [dreg:$0x17]  }
0x10e: {  	[hbm:s6], [sflag:s7] =	dma.local [spmem:s12], $0x2800  }
0x10f: {  	_ =	swait.ge [sflag:s13], $0x2800  }
0x110: {  	s1 =	sadd.s32 $0x1, s1;
	s14 =	rddreg [dreg:$0x18]  }
0x111: {  	p0 =	sne.s32 s1, s14  }
.Ltmp1:
0x112: {  	_ = 	snop;
	(pc) =	sbr.rel @p0 .LBB2_1-.Ltmp1, $3  }
0x113: {  	_ =	sdelay $0x1  }
0x114: {  	[sflag:s13] =	ssyncset.done $0x0  }
0x115: {  	[sflag:s13] =	ssyncadd.s32 $0xFFFFD800  }
0x116: {  	_ =	sfence.sel $0x180000  }
0x117: {  	[bflag:$0x0] =	sbarrier.arrive $0xFFFF  }
0x118: {  	_ =	strace $0x9000004A  }
0x119: {  	s0 =	stileid.u32;
	[bflag:$0x2] =	sbarrier.arrive $0xFFFF  }
0x11a: {  	p0 =	sne.s32 s0, $0x0;
	s0 =	rddreg [dreg:$0x3]  }
0x11b: {  	s0 =	sadd.s32 @!p0 $0x100000, s0  }
0x11c: {  	[sflag:s0] =	ssyncadd.tile.s32 @!p0 $0x1;
	_ =	shalt  }
.Lfunc_end2:
_tile_overlayer_lowered:
.L_overlay_start_2:
0x11d: {  	(tag) =	ssettag $0x2  }
0x11e: {  	s0 =	rddreg [dreg:$0x0];
	s2 =	stileid.u32  }
0x11f: {  	s1 =	rddreg [dreg:$0x1];
	p0 =	sne.s32 s2, $0x0  }
0x120: {  	s3 =	rddreg [dreg:$0x2];
	[bflag:$0x3] =	sbarrier.arrive $0xFFFF;
	s2 =	simm.s32 @!p0 $0x1C09  }
0x121: {  	[timem:s3], [sflag:s2] =	dma.local @!p0 [hbm:s0], s1  }
0x122: {  	s0 =	simm.s32 @!p0 $0x9  }
0x123: {  	_ =	swait.ge @!p0 [sflag:s0], s1  }
0x124: {  	s1 =	ssub.s32 @!p0 $0x0, s1;
	[sflag:s0] =	ssyncset.done @!p0 $0x0  }
0x125: {  	[sflag:s0] =	ssyncadd.s32 @!p0 s1  }
0x126: {  	[bflag:$0x3] =	sbarrier.arrive $0xFFFF  }
0x127: {  	_ =	shalt  }

</sc_bundles>
